<compile_context>
chip_gen: v7x
topology: tpu7x:2x2x1
jax: 0.10.2.dev20260603
libtpu: 0.0.44.dev20260713+nightly
codegen_flags: <defaults>
</compile_context>

<pallas_src>
import functools

import jax
import jax.numpy as jnp
from jax import lax
from jax.experimental import pallas as pl
from jax.experimental.pallas import tpu as pltpu
from jax.experimental.pallas import tpu_sc as plsc

NC = 2
NS = 16
LANES = 128


def _sc_segment_sum(table, src3, dst3, na):
  n, d = table.shape
  nw, nch, _ = src3.shape
  rpt = na // NS
  mesh = plsc.VectorSubcoreMesh(core_axis_name="c", subcore_axis_name="s")

  @functools.partial(
      pl.kernel,
      out_type=jax.ShapeDtypeStruct((NC, na, d), jnp.float32),
      mesh=mesh,
      compiler_params=pltpu.CompilerParams(use_tc_tiling_on_sc=False),
      scratch_types=[
          pltpu.VMEM((nch, LANES), jnp.int32),
          pltpu.VMEM((nch, LANES), jnp.int32),
          pltpu.VMEM((LANES, d), jnp.float32),
          pltpu.VMEM_SHARED((na, d), jnp.float32),
          pltpu.SemaphoreType.DMA,
      ],
  )
  def body(table_hbm, src_hbm, dst_hbm, out_hbm, src_v, dst_v, rows_v,
           acc_sh, sem):
    cid = lax.axis_index("c")
    sid = lax.axis_index("s")
    wid = cid * NS + sid

    dchunks = d // 16

    def zb(i, _):
      r = i // dchunks
      col = (i % dchunks) * 16
      rows_v[r, pl.ds(col, 16)] = jnp.zeros((16,), jnp.float32)
      return 0

    lax.fori_loop(0, LANES * dchunks, zb, 0)
    base = sid * rpt
    for k in range(rpt // LANES):
      pltpu.sync_copy(rows_v, acc_sh.at[pl.ds(base + k * LANES, LANES)])

    pltpu.sync_copy(src_hbm.at[wid], src_v)
    pltpu.sync_copy(dst_hbm.at[wid], dst_v)
    plsc.subcore_barrier()

    def eb(j, _):
      pltpu.async_copy(table_hbm.at[src_v.at[j]], rows_v, sem).wait()
      pltpu.sync_copy(rows_v, acc_sh.at[dst_v.at[j]], add=True)
      return 0

    lax.fori_loop(0, nch, eb, 0)
    plsc.subcore_barrier()
    pltpu.sync_copy(acc_sh.at[pl.ds(base, rpt)],
                    out_hbm.at[cid].at[pl.ds(base, rpt)])

  return body(table, src3, dst3)


def _row_spec(r, width):
  return pl.BlockSpec((r, width), lambda i: (i, 0))


def _full_spec(shape):
  return pl.BlockSpec(shape, lambda i: tuple(0 for _ in shape))


def _tc1(parts, x, w1_rel, b1, w1_root, w2_rel, r):
  n, din = x.shape
  h1 = w1_rel.shape[1]
  h2w = w2_rel.shape[1]
  d = parts.shape[2]

  def body(p_ref, x_ref, w1r, b1r, w1o, w2r, h_ref, t_ref, rdeg_ref):
    agg = p_ref[0] + p_ref[1]
    deg = agg[:, din:din + 1]
    rdeg = 1.0 / jnp.maximum(deg, 1.0)
    mean1 = agg[:, :din] * rdeg
    h = jnp.maximum(
        jnp.dot(mean1, w1r[...], preferred_element_type=jnp.float32)
        + b1r[...]
        + jnp.dot(x_ref[...], w1o[...], preferred_element_type=jnp.float32),
        0.0)
    h_ref[...] = h
    t_ref[...] = jnp.dot(h, w2r[...], preferred_element_type=jnp.float32)
    rdeg_ref[...] = rdeg

  return pl.pallas_call(
      body,
      grid=(n // r,),
      in_specs=[
          pl.BlockSpec((2, r, d), lambda i: (0, i, 0)),
          _row_spec(r, din),
          _full_spec(w1_rel.shape),
          _full_spec(b1.shape),
          _full_spec(w1_root.shape),
          _full_spec(w2_rel.shape),
      ],
      out_specs=[_row_spec(r, h1), _row_spec(r, h2w), _row_spec(r, 1)],
      out_shape=[
          jax.ShapeDtypeStruct((n, h1), jnp.float32),
          jax.ShapeDtypeStruct((n, h2w), jnp.float32),
          jax.ShapeDtypeStruct((n, 1), jnp.float32),
      ],
  )(parts, x, w1_rel, b1, w1_root, w2_rel)


def _tc2(parts, h, rdeg, b2, w2_root, wmuls, r):
  n, h1 = h.shape
  d = parts.shape[2]
  oc2 = wmuls.shape[1]

  def body(p_ref, h_ref, rdeg_ref, b2r, w2o, wm, h2_ref, pout_ref):
    mean2 = (p_ref[0] + p_ref[1]) * rdeg_ref[...]
    hh2 = jnp.maximum(
        mean2 + b2r[...]
        + jnp.dot(h_ref[...], w2o[...], preferred_element_type=jnp.float32),
        0.0)
    h2_ref[...] = hh2
    pout_ref[...] = jnp.dot(hh2, wm[...], preferred_element_type=jnp.float32)

  return pl.pallas_call(
      body,
      grid=(n // r,),
      in_specs=[
          pl.BlockSpec((2, r, d), lambda i: (0, i, 0)),
          _row_spec(r, h1),
          _row_spec(r, 1),
          _full_spec(b2.shape),
          _full_spec(w2_root.shape),
          _full_spec(wmuls.shape),
      ],
      out_specs=[_row_spec(r, d), _row_spec(r, oc2)],
      out_shape=[
          jax.ShapeDtypeStruct((n, d), jnp.float32),
          jax.ShapeDtypeStruct((n, oc2), jnp.float32),
      ],
  )(parts, h, rdeg, b2, w2_root, wmuls)


def _tc3(parts, h2, rdeg, bmuls, wroots, r):
  n, hd = h2.shape
  oc2 = parts.shape[2]

  def body(p_ref, h2_ref, rdeg_ref, br, wr, out_ref):
    mean3 = (p_ref[0] + p_ref[1]) * rdeg_ref[...]
    out_ref[...] = (
        mean3 + br[...]
        + jnp.dot(h2_ref[...], wr[...], preferred_element_type=jnp.float32))

  return pl.pallas_call(
      body,
      grid=(n // r,),
      in_specs=[
          pl.BlockSpec((2, r, oc2), lambda i: (0, i, 0)),
          _row_spec(r, hd),
          _row_spec(r, 1),
          _full_spec(bmuls.shape),
          _full_spec(wroots.shape),
      ],
      out_specs=_row_spec(r, oc2),
      out_shape=jax.ShapeDtypeStruct((n, oc2), jnp.float32),
  )(parts, h2, rdeg, bmuls, wroots)


def kernel(x, edge_index, w1_rel, b1, w1_root, w2_rel, b2, w2_root,
           wmu_rel, bmu, wmu_root, wls_rel, bls, wls_root):
  n, din = x.shape
  e = edge_index.shape[1]
  blk = NC * NS * LANES
  ep = ((e + blk - 1) // blk) * blk
  na = ((n + 1 + NS * LANES - 1) // (NS * LANES)) * (NS * LANES)

  src = edge_index[0]
  dst = edge_index[1]
  pad = ep - e
  if pad:
    src = jnp.concatenate([src, jnp.zeros((pad,), src.dtype)])
    dst = jnp.concatenate([dst, jnp.full((pad,), n, dst.dtype)])
  src3 = src.reshape(NC * NS, -1, LANES)
  dst3 = dst.reshape(NC * NS, -1, LANES)

  r = 2000 if n % 2000 == 0 else 8 * (n // 8)
  t1 = jnp.concatenate(
      [x, jnp.ones((n, 1), x.dtype), jnp.zeros((n, 15), x.dtype)], axis=1)
  p1 = _sc_segment_sum(t1, src3, dst3, na)
  h, t, rdeg = _tc1(p1, x, w1_rel, b1.reshape(1, -1), w1_root, w2_rel, r)

  p2 = _sc_segment_sum(t, src3, dst3, na)
  wmuls = jnp.concatenate([wmu_rel, wls_rel], axis=1)
  h2, p = _tc2(p2, h, rdeg, b2.reshape(1, -1), w2_root, wmuls, r)

  p3 = _sc_segment_sum(p, src3, dst3, na)
  wroots = jnp.concatenate([wmu_root, wls_root], axis=1)
  bmuls = jnp.concatenate([bmu, bls]).reshape(1, -1)
  out = _tc3(p3, h2, rdeg, bmuls, wroots, r)
  oc = wmu_rel.shape[1]
  return out[:, :oc], out[:, oc:]

# --- scband reference (transcript-rebuilt; emitter-appended) ---
"""Pipeline reference for scband-encoder-27066883899544 (READ-ONLY COPY).

The authoritative reference and input builder live on the scoring server;
editing this copy changes nothing except your own understanding.
"""

import jax, jax.numpy as jnp
import numpy as np

N = 10000
E = 320000
IN = 128
OC = 16
H1 = 16 * OC  # 256
H2 = 8 * OC   # 128


def _mk_lin(key, fan_in, fan_out, bias=True):
    k1, k2 = jax.random.split(key)
    w = jax.random.normal(k1, (fan_in, fan_out), jnp.float32) * (1.0 / np.sqrt(fan_in))
    if bias:
        b = jax.random.normal(k2, (fan_out,), jnp.float32) * 0.01
        return w, b
    return w


def setup_inputs(seed: int = 0) -> dict:
    key = jax.random.key(seed)
    ks = jax.random.split(key, 12)
    inp = {}
    inp["x"] = jax.random.normal(ks[0], (N, IN), jnp.float32)
    inp["edge_index"] = jax.random.randint(ks[1], (2, E), 0, N).astype(jnp.int32)
    # GraphConv layer 1: IN -> 16*OC
    inp["w1_rel"], inp["b1"] = _mk_lin(ks[2], IN, H1)
    inp["w1_root"] = _mk_lin(ks[3], IN, H1, bias=False)
    # GraphConv layer 2: 16*OC -> 8*OC
    inp["w2_rel"], inp["b2"] = _mk_lin(ks[4], H1, H2)
    inp["w2_root"] = _mk_lin(ks[5], H1, H2, bias=False)
    # conv_mu: 8*OC -> OC
    inp["wmu_rel"], inp["bmu"] = _mk_lin(ks[6], H2, OC)
    inp["wmu_root"] = _mk_lin(ks[7], H2, OC, bias=False)
    # conv_logstd: 8*OC -> OC
    inp["wls_rel"], inp["bls"] = _mk_lin(ks[8], H2, OC)
    inp["wls_root"] = _mk_lin(ks[9], H2, OC, bias=False)
    return inp


def _graph_conv_mean(x, src, dst, w_rel, b_rel, w_root):
    # PyG GraphConv with aggr='mean':
    #   out_i = lin_rel( mean_{j in N(i)} x_j ) + lin_root(x_i)
    msgs = x[src]  # gather source node features per edge
    agg = jax.ops.segment_sum(msgs, dst, num_segments=N)
    deg = jax.ops.segment_sum(jnp.ones((src.shape[0],), x.dtype), dst, num_segments=N)
    mean = agg / jnp.clip(deg, 1.0)[:, None]
    return mean @ w_rel + b_rel + x @ w_root


def reference(x, edge_index, w1_rel, b1, w1_root, w2_rel, b2, w2_root,
              wmu_rel, bmu, wmu_root, wls_rel, bls, wls_root):
    src, dst = edge_index[0], edge_index[1]
    h = jax.nn.relu(_graph_conv_mean(x, src, dst, w1_rel, b1, w1_root))
    h = jax.nn.relu(_graph_conv_mean(h, src, dst, w2_rel, b2, w2_root))
    mu = _graph_conv_mean(h, src, dst, wmu_rel, bmu, wmu_root)
    logstd = _graph_conv_mean(h, src, dst, wls_rel, bls, wls_root)
    return (mu, logstd)

if __name__ == "__main__":
    import jax
    _d = setup_inputs()
    print(jax.jit(kernel)(*tuple(_d.values())))

</pallas_src>

<mosaic_0001>
#map = affine_map<(d0, d1) -> (0, 0)>
#map1 = affine_map<(d0, d1) -> (0, 0, 0)>
module attributes {stable_mosaic.version = 14 : i64} {
  func.func @body(%arg0: i32, %arg1: i32, %arg2: memref<10000x32xf32, #tpu.memory_space<hbm>>, %arg3: memref<32x79x128xi32, #tpu.memory_space<hbm>>, %arg4: memref<32x79x128xi32, #tpu.memory_space<hbm>>, %arg5: memref<2x10240x32xf32, #tpu.memory_space<hbm>>, %arg6: memref<79x128xi32, #tpu.memory_space<vmem>>, %arg7: memref<79x128xi32, #tpu.memory_space<vmem>>, %arg8: memref<128x32xf32, #tpu.memory_space<vmem>>, %arg9: memref<10240x32xf32, #tpu.memory_space<vmem_shared>>, %arg10: memref<!tpu.dma_semaphore, #tpu.memory_space<semaphore_mem>>) attributes {dimension_semantics = [#tpu.dimension_semantics<core_parallel>, #tpu.dimension_semantics<subcore_parallel>], iteration_bounds = array<i64: 2, 16>, scalar_prefetch = 0 : i64, scratch_operands = 5 : i64, tpu.core_type = #tpu.core_type<sc_vector_subcore>, window_params = [{transform_indices = #map}, {transform_indices = #map1}, {transform_indices = #map1}, {transform_indices = #map1}]} {
    %mul3A = arith.constant 16 : i32
    %mul3A_0 = arith.muli %arg0, %mul3A : i32
    %add3A = arith.addi %mul3A_0, %arg1 : i32
    %scan3A = arith.constant 0 : i32
    %scan3A_1 = arith.constant 0 : i32
    %scan3A_2 = arith.constant 256 : i32
    %scan3A_3 = arith.addi %scan3A_1, %scan3A_2 : i32
    %scan3A_4 = arith.constant 1 : i32
    %scan3A_5 = scf.for %scan3A_27 = %scan3A_1 to %scan3A_3 step %scan3A_4 iter_args(%scan3A_28 = %scan3A) -> (i32)  : i32 {
      %jit3A = arith.constant 2 : i32
      %div3A = arith.divsi %scan3A_27, %jit3A : i32
      %sign3A = arith.constant 0 : i32
      %sign3A_29 = arith.cmpi sgt, %scan3A_27, %sign3A : i32
      %sign3A_30 = arith.extui %sign3A_29 : i1 to i32
      %sign3A_31 = arith.constant 0 : i32
      %sign3A_32 = arith.cmpi slt, %scan3A_27, %sign3A_31 : i32
      %sign3A_33 = arith.extui %sign3A_32 : i1 to i32
      %sign3A_34 = arith.subi %sign3A_30, %sign3A_33 : i32
      %sign3A_35 = arith.constant 0 : i32
      %sign3A_36 = arith.cmpi sgt, %jit3A, %sign3A_35 : i32
      %sign3A_37 = arith.extui %sign3A_36 : i1 to i32
      %sign3A_38 = arith.constant 0 : i32
      %sign3A_39 = arith.cmpi slt, %jit3A, %sign3A_38 : i32
      %sign3A_40 = arith.extui %sign3A_39 : i1 to i32
      %sign3A_41 = arith.subi %sign3A_37, %sign3A_40 : i32
      %ne3A = arith.cmpi ne, %sign3A_34, %sign3A_41 : i32
      %rem3A = arith.remsi %scan3A_27, %jit3A : i32
      %ne3A_42 = arith.constant 0 : i32
      %ne3A_43 = arith.cmpi ne, %rem3A, %ne3A_42 : i32
      %and3A = arith.andi %ne3A, %ne3A_43 : i1
      %sub3A = arith.constant 1 : i32
      %sub3A_44 = arith.subi %div3A, %sub3A : i32
      %select_n3A = arith.select %and3A, %sub3A_44, %div3A : i32
      %jit3A_45 = arith.constant 2 : i32
      %eq3A = arith.constant 0 : i32
      %eq3A_46 = arith.cmpi eq, %jit3A_45, %eq3A : i32
      %jit3A_47 = arith.constant 1 : i32
      %select_n3A_48 = arith.select %eq3A_46, %jit3A_47, %jit3A_45 : i32
      %rem3A_49 = arith.remsi %scan3A_27, %select_n3A_48 : i32
      %ne3A_50 = arith.constant 0 : i32
      %ne3A_51 = arith.cmpi ne, %rem3A_49, %ne3A_50 : i32
      %lt3A = arith.constant 0 : i32
      %lt3A_52 = arith.cmpi slt, %rem3A_49, %lt3A : i32
      %lt3A_53 = arith.constant 0 : i32
      %lt3A_54 = arith.cmpi slt, %select_n3A_48, %lt3A_53 : i32
      %ne3A_55 = arith.xori %lt3A_52, %lt3A_54 : i1
      %and3A_56 = arith.andi %ne3A_55, %ne3A_51 : i1
      %add3A_57 = arith.addi %rem3A_49, %select_n3A_48 : i32
      %select_n3A_58 = arith.select %and3A_56, %add3A_57, %rem3A_49 : i32
      %mul3A_59 = arith.constant 16 : i32
      %mul3A_60 = arith.muli %select_n3A_58, %mul3A_59 : i32
      %broadcast_in_dim3A = arith.constant 0.000000e+00 : f32
      %broadcast_in_dim3A_61 = vector.broadcast %broadcast_in_dim3A : f32 to vector<16xf32>
      %swap3A = arith.index_cast %select_n3A : i32 to index
      %swap3A_62 = arith.index_cast %mul3A_60 : i32 to index
      %swap3A_63 = tpu.vector_load %arg8[%swap3A, %swap3A_62] {strides = array<i32>} : memref<128x32xf32, #tpu.memory_space<vmem>>, vector<1x16xf32>,
      %swap3A_64 = vector.shape_cast %swap3A_63 : vector<1x16xf32> to vector<16xf32>
      %swap3A_65 = vector.shape_cast %broadcast_in_dim3A_61 : vector<16xf32> to vector<1x16xf32>
      tpu.vector_store %arg8[%swap3A, %swap3A_62], %swap3A_65 {strides = array<i32>} : memref<128x32xf32, #tpu.memory_space<vmem>>, vector<1x16xf32>,
      %scan3A_66 = arith.constant 0 : i32
      scf.yield %scan3A_66 : i32
    }
    %scan3A_6 = arith.constant 256 : i32
    %mul3A_7 = arith.constant 640 : i32
    %mul3A_8 = arith.muli %arg1, %mul3A_7 : i32
    %add3A_9 = arith.constant 0 : i32
    %add3A_10 = arith.addi %mul3A_8, %add3A_9 : i32
    "tpu.region"() ({
      %run_scoped3A = tpu.sem_alloc : memref<!tpu.dma_semaphore, #tpu.memory_space<semaphore_mem>>
      %dma_start3A = arith.constant 0 : i32
      %dma_start3A_27 = tpu.memref_slice %arg9[%add3A_10, %dma_start3A] : memref<10240x32xf32, #tpu.memory_space<vmem_shared>> -> memref<128x32xf32, #tpu.memory_space<vmem_shared>>
      %dma_start3A_28 = arith.constant 0 : i32
      %dma_start3A_29 = tpu.memref_slice %arg9[%add3A_10, %dma_start3A_28] : memref<10240x32xf32, #tpu.memory_space<vmem_shared>> -> memref<128x32xf32, #tpu.memory_space<vmem_shared>>
      tpu.enqueue_dma source(%arg8 : memref<128x32xf32, #tpu.memory_space<vmem>>) target(%dma_start3A_29 : memref<128x32xf32, #tpu.memory_space<vmem_shared>>) target_semaphore(%run_scoped3A : memref<!tpu.dma_semaphore, #tpu.memory_space<semaphore_mem>>)
      %dma_wait3A = arith.constant 0 : i32
      %dma_wait3A_30 = tpu.memref_slice %arg9[%add3A_10, %dma_wait3A] : memref<10240x32xf32, #tpu.memory_space<vmem_shared>> -> memref<128x32xf32, #tpu.memory_space<vmem_shared>>
      %dma_wait3A_31 = arith.constant 0 : i32
      %dma_wait3A_32 = tpu.memref_slice %arg9[%add3A_10, %dma_wait3A_31] : memref<10240x32xf32, #tpu.memory_space<vmem_shared>> -> memref<128x32xf32, #tpu.memory_space<vmem_shared>>
      tpu.wait_dma2 semaphore(%run_scoped3A : memref<!tpu.dma_semaphore, #tpu.memory_space<semaphore_mem>>) src(%arg8 : memref<128x32xf32, #tpu.memory_space<vmem>>) dst(%dma_wait3A_32 : memref<128x32xf32, #tpu.memory_space<vmem_shared>>)
      tpu.yield
    }) : () -> ()
    %add3A_11 = arith.constant 128 : i32
    %add3A_12 = arith.addi %mul3A_8, %add3A_11 : i32
    "tpu.region"() ({
      %run_scoped3A = tpu.sem_alloc : memref<!tpu.dma_semaphore, #tpu.memory_space<semaphore_mem>>
      %dma_start3A = arith.constant 0 : i32
      %dma_start3A_27 = tpu.memref_slice %arg9[%add3A_12, %dma_start3A] : memref<10240x32xf32, #tpu.memory_space<vmem_shared>> -> memref<128x32xf32, #tpu.memory_space<vmem_shared>>
      %dma_start3A_28 = arith.constant 0 : i32
      %dma_start3A_29 = tpu.memref_slice %arg9[%add3A_12, %dma_start3A_28] : memref<10240x32xf32, #tpu.memory_space<vmem_shared>> -> memref<128x32xf32, #tpu.memory_space<vmem_shared>>
      tpu.enqueue_dma source(%arg8 : memref<128x32xf32, #tpu.memory_space<vmem>>) target(%dma_start3A_29 : memref<128x32xf32, #tpu.memory_space<vmem_shared>>) target_semaphore(%run_scoped3A : memref<!tpu.dma_semaphore, #tpu.memory_space<semaphore_mem>>)
      %dma_wait3A = arith.constant 0 : i32
      %dma_wait3A_30 = tpu.memref_slice %arg9[%add3A_12, %dma_wait3A] : memref<10240x32xf32, #tpu.memory_space<vmem_shared>> -> memref<128x32xf32, #tpu.memory_space<vmem_shared>>
      %dma_wait3A_31 = arith.constant 0 : i32
      %dma_wait3A_32 = tpu.memref_slice %arg9[%add3A_12, %dma_wait3A_31] : memref<10240x32xf32, #tpu.memory_space<vmem_shared>> -> memref<128x32xf32, #tpu.memory_space<vmem_shared>>
      tpu.wait_dma2 semaphore(%run_scoped3A : memref<!tpu.dma_semaphore, #tpu.memory_space<semaphore_mem>>) src(%arg8 : memref<128x32xf32, #tpu.memory_space<vmem>>) dst(%dma_wait3A_32 : memref<128x32xf32, #tpu.memory_space<vmem_shared>>)
      tpu.yield
    }) : () -> ()
    %add3A_13 = arith.constant 256 : i32
    %add3A_14 = arith.addi %mul3A_8, %add3A_13 : i32
    "tpu.region"() ({
      %run_scoped3A = tpu.sem_alloc : memref<!tpu.dma_semaphore, #tpu.memory_space<semaphore_mem>>
      %dma_start3A = arith.constant 0 : i32
      %dma_start3A_27 = tpu.memref_slice %arg9[%add3A_14, %dma_start3A] : memref<10240x32xf32, #tpu.memory_space<vmem_shared>> -> memref<128x32xf32, #tpu.memory_space<vmem_shared>>
      %dma_start3A_28 = arith.constant 0 : i32
      %dma_start3A_29 = tpu.memref_slice %arg9[%add3A_14, %dma_start3A_28] : memref<10240x32xf32, #tpu.memory_space<vmem_shared>> -> memref<128x32xf32, #tpu.memory_space<vmem_shared>>
      tpu.enqueue_dma source(%arg8 : memref<128x32xf32, #tpu.memory_space<vmem>>) target(%dma_start3A_29 : memref<128x32xf32, #tpu.memory_space<vmem_shared>>) target_semaphore(%run_scoped3A : memref<!tpu.dma_semaphore, #tpu.memory_space<semaphore_mem>>)
      %dma_wait3A = arith.constant 0 : i32
      %dma_wait3A_30 = tpu.memref_slice %arg9[%add3A_14, %dma_wait3A] : memref<10240x32xf32, #tpu.memory_space<vmem_shared>> -> memref<128x32xf32, #tpu.memory_space<vmem_shared>>
      %dma_wait3A_31 = arith.constant 0 : i32
      %dma_wait3A_32 = tpu.memref_slice %arg9[%add3A_14, %dma_wait3A_31] : memref<10240x32xf32, #tpu.memory_space<vmem_shared>> -> memref<128x32xf32, #tpu.memory_space<vmem_shared>>
      tpu.wait_dma2 semaphore(%run_scoped3A : memref<!tpu.dma_semaphore, #tpu.memory_space<semaphore_mem>>) src(%arg8 : memref<128x32xf32, #tpu.memory_space<vmem>>) dst(%dma_wait3A_32 : memref<128x32xf32, #tpu.memory_space<vmem_shared>>)
      tpu.yield
    }) : () -> ()
    %add3A_15 = arith.constant 384 : i32
    %add3A_16 = arith.addi %mul3A_8, %add3A_15 : i32
    "tpu.region"() ({
      %run_scoped3A = tpu.sem_alloc : memref<!tpu.dma_semaphore, #tpu.memory_space<semaphore_mem>>
      %dma_start3A = arith.constant 0 : i32
      %dma_start3A_27 = tpu.memref_slice %arg9[%add3A_16, %dma_start3A] : memref<10240x32xf32, #tpu.memory_space<vmem_shared>> -> memref<128x32xf32, #tpu.memory_space<vmem_shared>>
      %dma_start3A_28 = arith.constant 0 : i32
      %dma_start3A_29 = tpu.memref_slice %arg9[%add3A_16, %dma_start3A_28] : memref<10240x32xf32, #tpu.memory_space<vmem_shared>> -> memref<128x32xf32, #tpu.memory_space<vmem_shared>>
      tpu.enqueue_dma source(%arg8 : memref<128x32xf32, #tpu.memory_space<vmem>>) target(%dma_start3A_29 : memref<128x32xf32, #tpu.memory_space<vmem_shared>>) target_semaphore(%run_scoped3A : memref<!tpu.dma_semaphore, #tpu.memory_space<semaphore_mem>>)
      %dma_wait3A = arith.constant 0 : i32
      %dma_wait3A_30 = tpu.memref_slice %arg9[%add3A_16, %dma_wait3A] : memref<10240x32xf32, #tpu.memory_space<vmem_shared>> -> memref<128x32xf32, #tpu.memory_space<vmem_shared>>
      %dma_wait3A_31 = arith.constant 0 : i32
      %dma_wait3A_32 = tpu.memref_slice %arg9[%add3A_16, %dma_wait3A_31] : memref<10240x32xf32, #tpu.memory_space<vmem_shared>> -> memref<128x32xf32, #tpu.memory_space<vmem_shared>>
      tpu.wait_dma2 semaphore(%run_scoped3A : memref<!tpu.dma_semaphore, #tpu.memory_space<semaphore_mem>>) src(%arg8 : memref<128x32xf32, #tpu.memory_space<vmem>>) dst(%dma_wait3A_32 : memref<128x32xf32, #tpu.memory_space<vmem_shared>>)
      tpu.yield
    }) : () -> ()
    %add3A_17 = arith.constant 512 : i32
    %add3A_18 = arith.addi %mul3A_8, %add3A_17 : i32
    "tpu.region"() ({
      %run_scoped3A = tpu.sem_alloc : memref<!tpu.dma_semaphore, #tpu.memory_space<semaphore_mem>>
      %dma_start3A = arith.constant 0 : i32
      %dma_start3A_27 = tpu.memref_slice %arg9[%add3A_18, %dma_start3A] : memref<10240x32xf32, #tpu.memory_space<vmem_shared>> -> memref<128x32xf32, #tpu.memory_space<vmem_shared>>
      %dma_start3A_28 = arith.constant 0 : i32
      %dma_start3A_29 = tpu.memref_slice %arg9[%add3A_18, %dma_start3A_28] : memref<10240x32xf32, #tpu.memory_space<vmem_shared>> -> memref<128x32xf32, #tpu.memory_space<vmem_shared>>
      tpu.enqueue_dma source(%arg8 : memref<128x32xf32, #tpu.memory_space<vmem>>) target(%dma_start3A_29 : memref<128x32xf32, #tpu.memory_space<vmem_shared>>) target_semaphore(%run_scoped3A : memref<!tpu.dma_semaphore, #tpu.memory_space<semaphore_mem>>)
      %dma_wait3A = arith.constant 0 : i32
      %dma_wait3A_30 = tpu.memref_slice %arg9[%add3A_18, %dma_wait3A] : memref<10240x32xf32, #tpu.memory_space<vmem_shared>> -> memref<128x32xf32, #tpu.memory_space<vmem_shared>>
      %dma_wait3A_31 = arith.constant 0 : i32
      %dma_wait3A_32 = tpu.memref_slice %arg9[%add3A_18, %dma_wait3A_31] : memref<10240x32xf32, #tpu.memory_space<vmem_shared>> -> memref<128x32xf32, #tpu.memory_space<vmem_shared>>
      tpu.wait_dma2 semaphore(%run_scoped3A : memref<!tpu.dma_semaphore, #tpu.memory_space<semaphore_mem>>) src(%arg8 : memref<128x32xf32, #tpu.memory_space<vmem>>) dst(%dma_wait3A_32 : memref<128x32xf32, #tpu.memory_space<vmem_shared>>)
      tpu.yield
    }) : () -> ()
    "tpu.region"() ({
      %run_scoped3A = tpu.sem_alloc : memref<!tpu.dma_semaphore, #tpu.memory_space<semaphore_mem>>
      %dma_start3A = arith.constant 0 : i32
      %dma_start3A_27 = arith.constant 0 : i32
      %dma_start3A_28 = tpu.memref_slice %arg3[%add3A, %dma_start3A, %dma_start3A_27] : memref<32x79x128xi32, #tpu.memory_space<hbm>> -> memref<1x79x128xi32, #tpu.memory_space<hbm>>
      %dma_start3A_29 = tpu.memref_squeeze %dma_start3A_28 : memref<1x79x128xi32, #tpu.memory_space<hbm>> -> memref<79x128xi32, #tpu.memory_space<hbm>>
      %dma_start3A_30 = arith.constant 0 : i32
      %dma_start3A_31 = arith.constant 0 : i32
      %dma_start3A_32 = tpu.memref_slice %arg3[%add3A, %dma_start3A_30, %dma_start3A_31] : memref<32x79x128xi32, #tpu.memory_space<hbm>> -> memref<1x79x128xi32, #tpu.memory_space<hbm>>
      %dma_start3A_33 = tpu.memref_squeeze %dma_start3A_32 : memref<1x79x128xi32, #tpu.memory_space<hbm>> -> memref<79x128xi32, #tpu.memory_space<hbm>>
      tpu.enqueue_dma source(%dma_start3A_33 : memref<79x128xi32, #tpu.memory_space<hbm>>) target(%arg6 : memref<79x128xi32, #tpu.memory_space<vmem>>) target_semaphore(%run_scoped3A : memref<!tpu.dma_semaphore, #tpu.memory_space<semaphore_mem>>)
      %dma_wait3A = arith.constant 0 : i32
      %dma_wait3A_34 = arith.constant 0 : i32
      %dma_wait3A_35 = tpu.memref_slice %arg3[%add3A, %dma_wait3A, %dma_wait3A_34] : memref<32x79x128xi32, #tpu.memory_space<hbm>> -> memref<1x79x128xi32, #tpu.memory_space<hbm>>
      %dma_wait3A_36 = tpu.memref_squeeze %dma_wait3A_35 : memref<1x79x128xi32, #tpu.memory_space<hbm>> -> memref<79x128xi32, #tpu.memory_space<hbm>>
      %dma_wait3A_37 = arith.constant 0 : i32
      %dma_wait3A_38 = arith.constant 0 : i32
      %dma_wait3A_39 = tpu.memref_slice %arg3[%add3A, %dma_wait3A_37, %dma_wait3A_38] : memref<32x79x128xi32, #tpu.memory_space<hbm>> -> memref<1x79x128xi32, #tpu.memory_space<hbm>>
      %dma_wait3A_40 = tpu.memref_squeeze %dma_wait3A_39 : memref<1x79x128xi32, #tpu.memory_space<hbm>> -> memref<79x128xi32, #tpu.memory_space<hbm>>
      tpu.wait_dma2 semaphore(%run_scoped3A : memref<!tpu.dma_semaphore, #tpu.memory_space<semaphore_mem>>) src(%dma_wait3A_40 : memref<79x128xi32, #tpu.memory_space<hbm>>) dst(%arg6 : memref<79x128xi32, #tpu.memory_space<vmem>>)
      tpu.yield
    }) : () -> ()
    "tpu.region"() ({
      %run_scoped3A = tpu.sem_alloc : memref<!tpu.dma_semaphore, #tpu.memory_space<semaphore_mem>>
      %dma_start3A = arith.constant 0 : i32
      %dma_start3A_27 = arith.constant 0 : i32
      %dma_start3A_28 = tpu.memref_slice %arg4[%add3A, %dma_start3A, %dma_start3A_27] : memref<32x79x128xi32, #tpu.memory_space<hbm>> -> memref<1x79x128xi32, #tpu.memory_space<hbm>>
      %dma_start3A_29 = tpu.memref_squeeze %dma_start3A_28 : memref<1x79x128xi32, #tpu.memory_space<hbm>> -> memref<79x128xi32, #tpu.memory_space<hbm>>
      %dma_start3A_30 = arith.constant 0 : i32
      %dma_start3A_31 = arith.constant 0 : i32
      %dma_start3A_32 = tpu.memref_slice %arg4[%add3A, %dma_start3A_30, %dma_start3A_31] : memref<32x79x128xi32, #tpu.memory_space<hbm>> -> memref<1x79x128xi32, #tpu.memory_space<hbm>>
      %dma_start3A_33 = tpu.memref_squeeze %dma_start3A_32 : memref<1x79x128xi32, #tpu.memory_space<hbm>> -> memref<79x128xi32, #tpu.memory_space<hbm>>
      tpu.enqueue_dma source(%dma_start3A_33 : memref<79x128xi32, #tpu.memory_space<hbm>>) target(%arg7 : memref<79x128xi32, #tpu.memory_space<vmem>>) target_semaphore(%run_scoped3A : memref<!tpu.dma_semaphore, #tpu.memory_space<semaphore_mem>>)
      %dma_wait3A = arith.constant 0 : i32
      %dma_wait3A_34 = arith.constant 0 : i32
      %dma_wait3A_35 = tpu.memref_slice %arg4[%add3A, %dma_wait3A, %dma_wait3A_34] : memref<32x79x128xi32, #tpu.memory_space<hbm>> -> memref<1x79x128xi32, #tpu.memory_space<hbm>>
      %dma_wait3A_36 = tpu.memref_squeeze %dma_wait3A_35 : memref<1x79x128xi32, #tpu.memory_space<hbm>> -> memref<79x128xi32, #tpu.memory_space<hbm>>
      %dma_wait3A_37 = arith.constant 0 : i32
      %dma_wait3A_38 = arith.constant 0 : i32
      %dma_wait3A_39 = tpu.memref_slice %arg4[%add3A, %dma_wait3A_37, %dma_wait3A_38] : memref<32x79x128xi32, #tpu.memory_space<hbm>> -> memref<1x79x128xi32, #tpu.memory_space<hbm>>
      %dma_wait3A_40 = tpu.memref_squeeze %dma_wait3A_39 : memref<1x79x128xi32, #tpu.memory_space<hbm>> -> memref<79x128xi32, #tpu.memory_space<hbm>>
      tpu.wait_dma2 semaphore(%run_scoped3A : memref<!tpu.dma_semaphore, #tpu.memory_space<semaphore_mem>>) src(%dma_wait3A_40 : memref<79x128xi32, #tpu.memory_space<hbm>>) dst(%arg7 : memref<79x128xi32, #tpu.memory_space<vmem>>)
      tpu.yield
    }) : () -> ()
    %barrier3A = arith.constant 0 : index
    tpu.barrier barrier_id(%barrier3A)
    %scan3A_19 = arith.constant 0 : i32
    %scan3A_20 = arith.constant 0 : i32
    %scan3A_21 = arith.constant 79 : i32
    %scan3A_22 = arith.addi %scan3A_20, %scan3A_21 : i32
    %scan3A_23 = arith.constant 1 : i32
    %scan3A_24 = scf.for %scan3A_27 = %scan3A_20 to %scan3A_22 step %scan3A_23 iter_args(%scan3A_28 = %scan3A_19) -> (i32)  : i32 {
      %dma_start3A = arith.constant 0 : i32
      %dma_start3A_29 = tpu.memref_slice %arg6[%scan3A_27, %dma_start3A] : memref<79x128xi32, #tpu.memory_space<vmem>> -> memref<1x128xi32, #tpu.memory_space<vmem>>
      %dma_start3A_30 = tpu.memref_squeeze %dma_start3A_29 : memref<1x128xi32, #tpu.memory_space<vmem>> -> memref<128xi32, #tpu.memory_space<vmem>>
      %dma_start3A_31 = arith.constant 0 : i32
      %dma_start3A_32 = arith.constant 0 : i32
      %dma_start3A_33 = tpu.memref_slice %arg2[%dma_start3A_31, %dma_start3A_32] : memref<10000x32xf32, #tpu.memory_space<hbm>> -> memref<10000x32xf32, #tpu.memory_space<hbm>>
      tpu.enqueue_indirect_dma source(%dma_start3A_33 : memref<10000x32xf32, #tpu.memory_space<hbm>>) target(%arg8 : memref<128x32xf32, #tpu.memory_space<vmem>>) offsets(%dma_start3A_30 : memref<128xi32, #tpu.memory_space<vmem>>) semaphore(%arg10 : memref<!tpu.dma_semaphore, #tpu.memory_space<semaphore_mem>>)
      %dma_wait3A = arith.constant 0 : i32
      %dma_wait3A_34 = tpu.memref_slice %arg6[%scan3A_27, %dma_wait3A] : memref<79x128xi32, #tpu.memory_space<vmem>> -> memref<1x128xi32, #tpu.memory_space<vmem>>
      %dma_wait3A_35 = tpu.memref_squeeze %dma_wait3A_34 : memref<1x128xi32, #tpu.memory_space<vmem>> -> memref<128xi32, #tpu.memory_space<vmem>>
      %dma_wait3A_36 = arith.constant 0 : i32
      %dma_wait3A_37 = arith.constant 0 : i32
      %dma_wait3A_38 = tpu.memref_slice %arg2[%dma_wait3A_36, %dma_wait3A_37] : memref<10000x32xf32, #tpu.memory_space<hbm>> -> memref<10000x32xf32, #tpu.memory_space<hbm>>
      tpu.wait_indirect_dma semaphore(%arg10 : memref<!tpu.dma_semaphore, #tpu.memory_space<semaphore_mem>>) src(%dma_wait3A_38 : memref<10000x32xf32, #tpu.memory_space<hbm>>) dst(%arg8 : memref<128x32xf32, #tpu.memory_space<vmem>>)
      "tpu.region"() ({
        %run_scoped3A = tpu.sem_alloc : memref<!tpu.dma_semaphore, #tpu.memory_space<semaphore_mem>>
        %dma_start3A_40 = arith.constant 0 : i32
        %dma_start3A_41 = tpu.memref_slice %arg7[%scan3A_27, %dma_start3A_40] : memref<79x128xi32, #tpu.memory_space<vmem>> -> memref<1x128xi32, #tpu.memory_space<vmem>>
        %dma_start3A_42 = tpu.memref_squeeze %dma_start3A_41 : memref<1x128xi32, #tpu.memory_space<vmem>> -> memref<128xi32, #tpu.memory_space<vmem>>
        %dma_start3A_43 = arith.constant 0 : i32
        %dma_start3A_44 = arith.constant 0 : i32
        %dma_start3A_45 = tpu.memref_slice %arg9[%dma_start3A_43, %dma_start3A_44] : memref<10240x32xf32, #tpu.memory_space<vmem_shared>> -> memref<10240x32xf32, #tpu.memory_space<vmem_shared>>
        tpu.enqueue_indirect_dma source(%arg8 : memref<128x32xf32, #tpu.memory_space<vmem>>) target(%dma_start3A_45 : memref<10240x32xf32, #tpu.memory_space<vmem_shared>>) offsets(%dma_start3A_42 : memref<128xi32, #tpu.memory_space<vmem>>) semaphore(%run_scoped3A : memref<!tpu.dma_semaphore, #tpu.memory_space<semaphore_mem>>) {add = true}
        %dma_wait3A_46 = arith.constant 0 : i32
        %dma_wait3A_47 = tpu.memref_slice %arg7[%scan3A_27, %dma_wait3A_46] : memref<79x128xi32, #tpu.memory_space<vmem>> -> memref<1x128xi32, #tpu.memory_space<vmem>>
        %dma_wait3A_48 = tpu.memref_squeeze %dma_wait3A_47 : memref<1x128xi32, #tpu.memory_space<vmem>> -> memref<128xi32, #tpu.memory_space<vmem>>
        %dma_wait3A_49 = arith.constant 0 : i32
        %dma_wait3A_50 = arith.constant 0 : i32
        %dma_wait3A_51 = tpu.memref_slice %arg9[%dma_wait3A_49, %dma_wait3A_50] : memref<10240x32xf32, #tpu.memory_space<vmem_shared>> -> memref<10240x32xf32, #tpu.memory_space<vmem_shared>>
        tpu.wait_indirect_dma semaphore(%run_scoped3A : memref<!tpu.dma_semaphore, #tpu.memory_space<semaphore_mem>>) src(%arg8 : memref<128x32xf32, #tpu.memory_space<vmem>>) dst(%dma_wait3A_51 : memref<10240x32xf32, #tpu.memory_space<vmem_shared>>)
        tpu.yield
      }) : () -> ()
      %scan3A_39 = arith.constant 0 : i32
      scf.yield %scan3A_39 : i32
    }
    %scan3A_25 = arith.constant 79 : i32
    %barrier3A_26 = arith.constant 0 : index
    tpu.barrier barrier_id(%barrier3A_26)
    "tpu.region"() ({
      %run_scoped3A = tpu.sem_alloc : memref<!tpu.dma_semaphore, #tpu.memory_space<semaphore_mem>>
      %dma_start3A = arith.constant 0 : i32
      %dma_start3A_27 = arith.constant 0 : i32
      %dma_start3A_28 = tpu.memref_slice %arg5[%arg0, %dma_start3A, %dma_start3A_27] : memref<2x10240x32xf32, #tpu.memory_space<hbm>> -> memref<1x10240x32xf32, #tpu.memory_space<hbm>>
      %dma_start3A_29 = tpu.memref_squeeze %dma_start3A_28 : memref<1x10240x32xf32, #tpu.memory_space<hbm>> -> memref<10240x32xf32, #tpu.memory_space<hbm>>
      %dma_start3A_30 = arith.constant 0 : i32
      %dma_start3A_31 = tpu.memref_slice %dma_start3A_29[%mul3A_8, %dma_start3A_30] : memref<10240x32xf32, #tpu.memory_space<hbm>> -> memref<640x32xf32, #tpu.memory_space<hbm>>
      %dma_start3A_32 = arith.constant 0 : i32
      %dma_start3A_33 = tpu.memref_slice %arg9[%mul3A_8, %dma_start3A_32] : memref<10240x32xf32, #tpu.memory_space<vmem_shared>> -> memref<640x32xf32, #tpu.memory_space<vmem_shared>>
      tpu.enqueue_dma source(%dma_start3A_33 : memref<640x32xf32, #tpu.memory_space<vmem_shared>>) target(%dma_start3A_31 : memref<640x32xf32, #tpu.memory_space<hbm>>) target_semaphore(%run_scoped3A : memref<!tpu.dma_semaphore, #tpu.memory_space<semaphore_mem>>)
      %dma_wait3A = arith.constant 0 : i32
      %dma_wait3A_34 = arith.constant 0 : i32
      %dma_wait3A_35 = tpu.memref_slice %arg5[%arg0, %dma_wait3A, %dma_wait3A_34] : memref<2x10240x32xf32, #tpu.memory_space<hbm>> -> memref<1x10240x32xf32, #tpu.memory_space<hbm>>
      %dma_wait3A_36 = tpu.memref_squeeze %dma_wait3A_35 : memref<1x10240x32xf32, #tpu.memory_space<hbm>> -> memref<10240x32xf32, #tpu.memory_space<hbm>>
      %dma_wait3A_37 = arith.constant 0 : i32
      %dma_wait3A_38 = tpu.memref_slice %dma_wait3A_36[%mul3A_8, %dma_wait3A_37] : memref<10240x32xf32, #tpu.memory_space<hbm>> -> memref<640x32xf32, #tpu.memory_space<hbm>>
      %dma_wait3A_39 = arith.constant 0 : i32
      %dma_wait3A_40 = tpu.memref_slice %arg9[%mul3A_8, %dma_wait3A_39] : memref<10240x32xf32, #tpu.memory_space<vmem_shared>> -> memref<640x32xf32, #tpu.memory_space<vmem_shared>>
      tpu.wait_dma2 semaphore(%run_scoped3A : memref<!tpu.dma_semaphore, #tpu.memory_space<semaphore_mem>>) src(%dma_wait3A_40 : memref<640x32xf32, #tpu.memory_space<vmem_shared>>) dst(%dma_wait3A_38 : memref<640x32xf32, #tpu.memory_space<hbm>>)
      tpu.yield
    }) : () -> ()
    return
  }
}

#map = affine_map<(d0, d1) -> (0, 0)>
#map1 = affine_map<(d0, d1) -> (0, 0, 0)>
module attributes {stable_mosaic.version = 14 : i64} {
  func.func @body(%arg0: i32, %arg1: i32, %arg2: memref<10000x144xf32, #tpu.memory_space<hbm>>, %arg3: memref<32x79x128xi32, #tpu.memory_space<hbm>>, %arg4: memref<32x79x128xi32, #tpu.memory_space<hbm>>, %arg5: memref<2x10240x144xf32, #tpu.memory_space<hbm>>, %arg6: memref<79x128xi32, #tpu.memory_space<vmem>>, %arg7: memref<79x128xi32, #tpu.memory_space<vmem>>, %arg8: memref<128x144xf32, #tpu.memory_space<vmem>>, %arg9: memref<10240x144xf32, #tpu.memory_space<vmem_shared>>, %arg10: memref<!tpu.dma_semaphore, #tpu.memory_space<semaphore_mem>>) attributes {dimension_semantics = [#tpu.dimension_semantics<core_parallel>, #tpu.dimension_semantics<subcore_parallel>], iteration_bounds = array<i64: 2, 16>, scalar_prefetch = 0 : i64, scratch_operands = 5 : i64, tpu.core_type = #tpu.core_type<sc_vector_subcore>, window_params = [{transform_indices = #map}, {transform_indices = #map1}, {transform_indices = #map1}, {transform_indices = #map1}]} {
    %mul3A = arith.constant 16 : i32
    %mul3A_0 = arith.muli %arg0, %mul3A : i32
    %add3A = arith.addi %mul3A_0, %arg1 : i32
    %scan3A = arith.constant 0 : i32
    %scan3A_1 = arith.constant 0 : i32
    %scan3A_2 = arith.constant 1152 : i32
    %scan3A_3 = arith.addi %scan3A_1, %scan3A_2 : i32
    %scan3A_4 = arith.constant 1 : i32
    %scan3A_5 = scf.for %scan3A_27 = %scan3A_1 to %scan3A_3 step %scan3A_4 iter_args(%scan3A_28 = %scan3A) -> (i32)  : i32 {
      %jit3A = arith.constant 9 : i32
      %div3A = arith.divsi %scan3A_27, %jit3A : i32
      %sign3A = arith.constant 0 : i32
      %sign3A_29 = arith.cmpi sgt, %scan3A_27, %sign3A : i32
      %sign3A_30 = arith.extui %sign3A_29 : i1 to i32
      %sign3A_31 = arith.constant 0 : i32
      %sign3A_32 = arith.cmpi slt, %scan3A_27, %sign3A_31 : i32
      %sign3A_33 = arith.extui %sign3A_32 : i1 to i32
      %sign3A_34 = arith.subi %sign3A_30, %sign3A_33 : i32
      %sign3A_35 = arith.constant 0 : i32
      %sign3A_36 = arith.cmpi sgt, %jit3A, %sign3A_35 : i32
      %sign3A_37 = arith.extui %sign3A_36 : i1 to i32
      %sign3A_38 = arith.constant 0 : i32
      %sign3A_39 = arith.cmpi slt, %jit3A, %sign3A_38 : i32
      %sign3A_40 = arith.extui %sign3A_39 : i1 to i32
      %sign3A_41 = arith.subi %sign3A_37, %sign3A_40 : i32
      %ne3A = arith.cmpi ne, %sign3A_34, %sign3A_41 : i32
      %rem3A = arith.remsi %scan3A_27, %jit3A : i32
      %ne3A_42 = arith.constant 0 : i32
      %ne3A_43 = arith.cmpi ne, %rem3A, %ne3A_42 : i32
      %and3A = arith.andi %ne3A, %ne3A_43 : i1
      %sub3A = arith.constant 1 : i32
      %sub3A_44 = arith.subi %div3A, %sub3A : i32
      %select_n3A = arith.select %and3A, %sub3A_44, %div3A : i32
      %jit3A_45 = arith.constant 9 : i32
      %eq3A = arith.constant 0 : i32
      %eq3A_46 = arith.cmpi eq, %jit3A_45, %eq3A : i32
      %jit3A_47 = arith.constant 1 : i32
      %select_n3A_48 = arith.select %eq3A_46, %jit3A_47, %jit3A_45 : i32
      %rem3A_49 = arith.remsi %scan3A_27, %select_n3A_48 : i32
      %ne3A_50 = arith.constant 0 : i32
      %ne3A_51 = arith.cmpi ne, %rem3A_49, %ne3A_50 : i32
      %lt3A = arith.constant 0 : i32
      %lt3A_52 = arith.cmpi slt, %rem3A_49, %lt3A : i32
      %lt3A_53 = arith.constant 0 : i32
      %lt3A_54 = arith.cmpi slt, %select_n3A_48, %lt3A_53 : i32
      %ne3A_55 = arith.xori %lt3A_52, %lt3A_54 : i1
      %and3A_56 = arith.andi %ne3A_55, %ne3A_51 : i1
      %add3A_57 = arith.addi %rem3A_49, %select_n3A_48 : i32
      %select_n3A_58 = arith.select %and3A_56, %add3A_57, %rem3A_49 : i32
      %mul3A_59 = arith.constant 16 : i32
      %mul3A_60 = arith.muli %select_n3A_58, %mul3A_59 : i32
      %broadcast_in_dim3A = arith.constant 0.000000e+00 : f32
      %broadcast_in_dim3A_61 = vector.broadcast %broadcast_in_dim3A : f32 to vector<16xf32>
      %swap3A = arith.index_cast %select_n3A : i32 to index
      %swap3A_62 = arith.index_cast %mul3A_60 : i32 to index
      %swap3A_63 = tpu.vector_load %arg8[%swap3A, %swap3A_62] {strides = array<i32>} : memref<128x144xf32, #tpu.memory_space<vmem>>, vector<1x16xf32>,
      %swap3A_64 = vector.shape_cast %swap3A_63 : vector<1x16xf32> to vector<16xf32>
      %swap3A_65 = vector.shape_cast %broadcast_in_dim3A_61 : vector<16xf32> to vector<1x16xf32>
      tpu.vector_store %arg8[%swap3A, %swap3A_62], %swap3A_65 {strides = array<i32>} : memref<128x144xf32, #tpu.memory_space<vmem>>, vector<1x16xf32>,
      %scan3A_66 = arith.constant 0 : i32
      scf.yield %scan3A_66 : i32
    }
    %scan3A_6 = arith.constant 1152 : i32
    %mul3A_7 = arith.constant 640 : i32
    %mul3A_8 = arith.muli %arg1, %mul3A_7 : i32
    %add3A_9 = arith.constant 0 : i32
    %add3A_10 = arith.addi %mul3A_8, %add3A_9 : i32
    "tpu.region"() ({
      %run_scoped3A = tpu.sem_alloc : memref<!tpu.dma_semaphore, #tpu.memory_space<semaphore_mem>>
      %dma_start3A = arith.constant 0 : i32
      %dma_start3A_27 = tpu.memref_slice %arg9[%add3A_10, %dma_start3A] : memref<10240x144xf32, #tpu.memory_space<vmem_shared>> -> memref<128x144xf32, #tpu.memory_space<vmem_shared>>
      %dma_start3A_28 = arith.constant 0 : i32
      %dma_start3A_29 = tpu.memref_slice %arg9[%add3A_10, %dma_start3A_28] : memref<10240x144xf32, #tpu.memory_space<vmem_shared>> -> memref<128x144xf32, #tpu.memory_space<vmem_shared>>
      tpu.enqueue_dma source(%arg8 : memref<128x144xf32, #tpu.memory_space<vmem>>) target(%dma_start3A_29 : memref<128x144xf32, #tpu.memory_space<vmem_shared>>) target_semaphore(%run_scoped3A : memref<!tpu.dma_semaphore, #tpu.memory_space<semaphore_mem>>)
      %dma_wait3A = arith.constant 0 : i32
      %dma_wait3A_30 = tpu.memref_slice %arg9[%add3A_10, %dma_wait3A] : memref<10240x144xf32, #tpu.memory_space<vmem_shared>> -> memref<128x144xf32, #tpu.memory_space<vmem_shared>>
      %dma_wait3A_31 = arith.constant 0 : i32
      %dma_wait3A_32 = tpu.memref_slice %arg9[%add3A_10, %dma_wait3A_31] : memref<10240x144xf32, #tpu.memory_space<vmem_shared>> -> memref<128x144xf32, #tpu.memory_space<vmem_shared>>
      tpu.wait_dma2 semaphore(%run_scoped3A : memref<!tpu.dma_semaphore, #tpu.memory_space<semaphore_mem>>) src(%arg8 : memref<128x144xf32, #tpu.memory_space<vmem>>) dst(%dma_wait3A_32 : memref<128x144xf32, #tpu.memory_space<vmem_shared>>)
      tpu.yield
    }) : () -> ()
    %add3A_11 = arith.constant 128 : i32
    %add3A_12 = arith.addi %mul3A_8, %add3A_11 : i32
    "tpu.region"() ({
      %run_scoped3A = tpu.sem_alloc : memref<!tpu.dma_semaphore, #tpu.memory_space<semaphore_mem>>
      %dma_start3A = arith.constant 0 : i32
      %dma_start3A_27 = tpu.memref_slice %arg9[%add3A_12, %dma_start3A] : memref<10240x144xf32, #tpu.memory_space<vmem_shared>> -> memref<128x144xf32, #tpu.memory_space<vmem_shared>>
      %dma_start3A_28 = arith.constant 0 : i32
      %dma_start3A_29 = tpu.memref_slice %arg9[%add3A_12, %dma_start3A_28] : memref<10240x144xf32, #tpu.memory_space<vmem_shared>> -> memref<128x144xf32, #tpu.memory_space<vmem_shared>>
      tpu.enqueue_dma source(%arg8 : memref<128x144xf32, #tpu.memory_space<vmem>>) target(%dma_start3A_29 : memref<128x144xf32, #tpu.memory_space<vmem_shared>>) target_semaphore(%run_scoped3A : memref<!tpu.dma_semaphore, #tpu.memory_space<semaphore_mem>>)
      %dma_wait3A = arith.constant 0 : i32
      %dma_wait3A_30 = tpu.memref_slice %arg9[%add3A_12, %dma_wait3A] : memref<10240x144xf32, #tpu.memory_space<vmem_shared>> -> memref<128x144xf32, #tpu.memory_space<vmem_shared>>
      %dma_wait3A_31 = arith.constant 0 : i32
      %dma_wait3A_32 = tpu.memref_slice %arg9[%add3A_12, %dma_wait3A_31] : memref<10240x144xf32, #tpu.memory_space<vmem_shared>> -> memref<128x144xf32, #tpu.memory_space<vmem_shared>>
      tpu.wait_dma2 semaphore(%run_scoped3A : memref<!tpu.dma_semaphore, #tpu.memory_space<semaphore_mem>>) src(%arg8 : memref<128x144xf32, #tpu.memory_space<vmem>>) dst(%dma_wait3A_32 : memref<128x144xf32, #tpu.memory_space<vmem_shared>>)
      tpu.yield
    }) : () -> ()
    %add3A_13 = arith.constant 256 : i32
    %add3A_14 = arith.addi %mul3A_8, %add3A_13 : i32
    "tpu.region"() ({
      %run_scoped3A = tpu.sem_alloc : memref<!tpu.dma_semaphore, #tpu.memory_space<semaphore_mem>>
      %dma_start3A = arith.constant 0 : i32
      %dma_start3A_27 = tpu.memref_slice %arg9[%add3A_14, %dma_start3A] : memref<10240x144xf32, #tpu.memory_space<vmem_shared>> -> memref<128x144xf32, #tpu.memory_space<vmem_shared>>
      %dma_start3A_28 = arith.constant 0 : i32
      %dma_start3A_29 = tpu.memref_slice %arg9[%add3A_14, %dma_start3A_28] : memref<10240x144xf32, #tpu.memory_space<vmem_shared>> -> memref<128x144xf32, #tpu.memory_space<vmem_shared>>
      tpu.enqueue_dma source(%arg8 : memref<128x144xf32, #tpu.memory_space<vmem>>) target(%dma_start3A_29 : memref<128x144xf32, #tpu.memory_space<vmem_shared>>) target_semaphore(%run_scoped3A : memref<!tpu.dma_semaphore, #tpu.memory_space<semaphore_mem>>)
      %dma_wait3A = arith.constant 0 : i32
      %dma_wait3A_30 = tpu.memref_slice %arg9[%add3A_14, %dma_wait3A] : memref<10240x144xf32, #tpu.memory_space<vmem_shared>> -> memref<128x144xf32, #tpu.memory_space<vmem_shared>>
      %dma_wait3A_31 = arith.constant 0 : i32
      %dma_wait3A_32 = tpu.memref_slice %arg9[%add3A_14, %dma_wait3A_31] : memref<10240x144xf32, #tpu.memory_space<vmem_shared>> -> memref<128x144xf32, #tpu.memory_space<vmem_shared>>
      tpu.wait_dma2 semaphore(%run_scoped3A : memref<!tpu.dma_semaphore, #tpu.memory_space<semaphore_mem>>) src(%arg8 : memref<128x144xf32, #tpu.memory_space<vmem>>) dst(%dma_wait3A_32 : memref<128x144xf32, #tpu.memory_space<vmem_shared>>)
      tpu.yield
    }) : () -> ()
    %add3A_15 = arith.constant 384 : i32
    %add3A_16 = arith.addi %mul3A_8, %add3A_15 : i32
    "tpu.region"() ({
      %run_scoped3A = tpu.sem_alloc : memref<!tpu.dma_semaphore, #tpu.memory_space<semaphore_mem>>
      %dma_start3A = arith.constant 0 : i32
      %dma_start3A_27 = tpu.memref_slice %arg9[%add3A_16, %dma_start3A] : memref<10240x144xf32, #tpu.memory_space<vmem_shared>> -> memref<128x144xf32, #tpu.memory_space<vmem_shared>>
      %dma_start3A_28 = arith.constant 0 : i32
      %dma_start3A_29 = tpu.memref_slice %arg9[%add3A_16, %dma_start3A_28] : memref<10240x144xf32, #tpu.memory_space<vmem_shared>> -> memref<128x144xf32, #tpu.memory_space<vmem_shared>>
      tpu.enqueue_dma source(%arg8 : memref<128x144xf32, #tpu.memory_space<vmem>>) target(%dma_start3A_29 : memref<128x144xf32, #tpu.memory_space<vmem_shared>>) target_semaphore(%run_scoped3A : memref<!tpu.dma_semaphore, #tpu.memory_space<semaphore_mem>>)
      %dma_wait3A = arith.constant 0 : i32
      %dma_wait3A_30 = tpu.memref_slice %arg9[%add3A_16, %dma_wait3A] : memref<10240x144xf32, #tpu.memory_space<vmem_shared>> -> memref<128x144xf32, #tpu.memory_space<vmem_shared>>
      %dma_wait3A_31 = arith.constant 0 : i32
      %dma_wait3A_32 = tpu.memref_slice %arg9[%add3A_16, %dma_wait3A_31] : memref<10240x144xf32, #tpu.memory_space<vmem_shared>> -> memref<128x144xf32, #tpu.memory_space<vmem_shared>>
      tpu.wait_dma2 semaphore(%run_scoped3A : memref<!tpu.dma_semaphore, #tpu.memory_space<semaphore_mem>>) src(%arg8 : memref<128x144xf32, #tpu.memory_space<vmem>>) dst(%dma_wait3A_32 : memref<128x144xf32, #tpu.memory_space<vmem_shared>>)
      tpu.yield
    }) : () -> ()
    %add3A_17 = arith.constant 512 : i32
    %add3A_18 = arith.addi %mul3A_8, %add3A_17 : i32
    "tpu.region"() ({
      %run_scoped3A = tpu.sem_alloc : memref<!tpu.dma_semaphore, #tpu.memory_space<semaphore_mem>>
      %dma_start3A = arith.constant 0 : i32
      %dma_start3A_27 = tpu.memref_slice %arg9[%add3A_18, %dma_start3A] : memref<10240x144xf32, #tpu.memory_space<vmem_shared>> -> memref<128x144xf32, #tpu.memory_space<vmem_shared>>
      %dma_start3A_28 = arith.constant 0 : i32
      %dma_start3A_29 = tpu.memref_slice %arg9[%add3A_18, %dma_start3A_28] : memref<10240x144xf32, #tpu.memory_space<vmem_shared>> -> memref<128x144xf32, #tpu.memory_space<vmem_shared>>
      tpu.enqueue_dma source(%arg8 : memref<128x144xf32, #tpu.memory_space<vmem>>) target(%dma_start3A_29 : memref<128x144xf32, #tpu.memory_space<vmem_shared>>) target_semaphore(%run_scoped3A : memref<!tpu.dma_semaphore, #tpu.memory_space<semaphore_mem>>)
      %dma_wait3A = arith.constant 0 : i32
      %dma_wait3A_30 = tpu.memref_slice %arg9[%add3A_18, %dma_wait3A] : memref<10240x144xf32, #tpu.memory_space<vmem_shared>> -> memref<128x144xf32, #tpu.memory_space<vmem_shared>>
      %dma_wait3A_31 = arith.constant 0 : i32
      %dma_wait3A_32 = tpu.memref_slice %arg9[%add3A_18, %dma_wait3A_31] : memref<10240x144xf32, #tpu.memory_space<vmem_shared>> -> memref<128x144xf32, #tpu.memory_space<vmem_shared>>
      tpu.wait_dma2 semaphore(%run_scoped3A : memref<!tpu.dma_semaphore, #tpu.memory_space<semaphore_mem>>) src(%arg8 : memref<128x144xf32, #tpu.memory_space<vmem>>) dst(%dma_wait3A_32 : memref<128x144xf32, #tpu.memory_space<vmem_shared>>)
      tpu.yield
    }) : () -> ()
    "tpu.region"() ({
      %run_scoped3A = tpu.sem_alloc : memref<!tpu.dma_semaphore, #tpu.memory_space<semaphore_mem>>
      %dma_start3A = arith.constant 0 : i32
      %dma_start3A_27 = arith.constant 0 : i32
      %dma_start3A_28 = tpu.memref_slice %arg3[%add3A, %dma_start3A, %dma_start3A_27] : memref<32x79x128xi32, #tpu.memory_space<hbm>> -> memref<1x79x128xi32, #tpu.memory_space<hbm>>
      %dma_start3A_29 = tpu.memref_squeeze %dma_start3A_28 : memref<1x79x128xi32, #tpu.memory_space<hbm>> -> memref<79x128xi32, #tpu.memory_space<hbm>>
      %dma_start3A_30 = arith.constant 0 : i32
      %dma_start3A_31 = arith.constant 0 : i32
      %dma_start3A_32 = tpu.memref_slice %arg3[%add3A, %dma_start3A_30, %dma_start3A_31] : memref<32x79x128xi32, #tpu.memory_space<hbm>> -> memref<1x79x128xi32, #tpu.memory_space<hbm>>
      %dma_start3A_33 = tpu.memref_squeeze %dma_start3A_32 : memref<1x79x128xi32, #tpu.memory_space<hbm>> -> memref<79x128xi32, #tpu.memory_space<hbm>>
      tpu.enqueue_dma source(%dma_start3A_33 : memref<79x128xi32, #tpu.memory_space<hbm>>) target(%arg6 : memref<79x128xi32, #tpu.memory_space<vmem>>) target_semaphore(%run_scoped3A : memref<!tpu.dma_semaphore, #tpu.memory_space<semaphore_mem>>)
      %dma_wait3A = arith.constant 0 : i32
      %dma_wait3A_34 = arith.constant 0 : i32
      %dma_wait3A_35 = tpu.memref_slice %arg3[%add3A, %dma_wait3A, %dma_wait3A_34] : memref<32x79x128xi32, #tpu.memory_space<hbm>> -> memref<1x79x128xi32, #tpu.memory_space<hbm>>
      %dma_wait3A_36 = tpu.memref_squeeze %dma_wait3A_35 : memref<1x79x128xi32, #tpu.memory_space<hbm>> -> memref<79x128xi32, #tpu.memory_space<hbm>>
      %dma_wait3A_37 = arith.constant 0 : i32
      %dma_wait3A_38 = arith.constant 0 : i32
      %dma_wait3A_39 = tpu.memref_slice %arg3[%add3A, %dma_wait3A_37, %dma_wait3A_38] : memref<32x79x128xi32, #tpu.memory_space<hbm>> -> memref<1x79x128xi32, #tpu.memory_space<hbm>>
      %dma_wait3A_40 = tpu.memref_squeeze %dma_wait3A_39 : memref<1x79x128xi32, #tpu.memory_space<hbm>> -> memref<79x128xi32, #tpu.memory_space<hbm>>
      tpu.wait_dma2 semaphore(%run_scoped3A : memref<!tpu.dma_semaphore, #tpu.memory_space<semaphore_mem>>) src(%dma_wait3A_40 : memref<79x128xi32, #tpu.memory_space<hbm>>) dst(%arg6 : memref<79x128xi32, #tpu.memory_space<vmem>>)
      tpu.yield
    }) : () -> ()
    "tpu.region"() ({
      %run_scoped3A = tpu.sem_alloc : memref<!tpu.dma_semaphore, #tpu.memory_space<semaphore_mem>>
      %dma_start3A = arith.constant 0 : i32
      %dma_start3A_27 = arith.constant 0 : i32
      %dma_start3A_28 = tpu.memref_slice %arg4[%add3A, %dma_start3A, %dma_start3A_27] : memref<32x79x128xi32, #tpu.memory_space<hbm>> -> memref<1x79x128xi32, #tpu.memory_space<hbm>>
      %dma_start3A_29 = tpu.memref_squeeze %dma_start3A_28 : memref<1x79x128xi32, #tpu.memory_space<hbm>> -> memref<79x128xi32, #tpu.memory_space<hbm>>
      %dma_start3A_30 = arith.constant 0 : i32
      %dma_start3A_31 = arith.constant 0 : i32
      %dma_start3A_32 = tpu.memref_slice %arg4[%add3A, %dma_start3A_30, %dma_start3A_31] : memref<32x79x128xi32, #tpu.memory_space<hbm>> -> memref<1x79x128xi32, #tpu.memory_space<hbm>>
      %dma_start3A_33 = tpu.memref_squeeze %dma_start3A_32 : memref<1x79x128xi32, #tpu.memory_space<hbm>> -> memref<79x128xi32, #tpu.memory_space<hbm>>
      tpu.enqueue_dma source(%dma_start3A_33 : memref<79x128xi32, #tpu.memory_space<hbm>>) target(%arg7 : memref<79x128xi32, #tpu.memory_space<vmem>>) target_semaphore(%run_scoped3A : memref<!tpu.dma_semaphore, #tpu.memory_space<semaphore_mem>>)
      %dma_wait3A = arith.constant 0 : i32
      %dma_wait3A_34 = arith.constant 0 : i32
      %dma_wait3A_35 = tpu.memref_slice %arg4[%add3A, %dma_wait3A, %dma_wait3A_34] : memref<32x79x128xi32, #tpu.memory_space<hbm>> -> memref<1x79x128xi32, #tpu.memory_space<hbm>>
      %dma_wait3A_36 = tpu.memref_squeeze %dma_wait3A_35 : memref<1x79x128xi32, #tpu.memory_space<hbm>> -> memref<79x128xi32, #tpu.memory_space<hbm>>
      %dma_wait3A_37 = arith.constant 0 : i32
      %dma_wait3A_38 = arith.constant 0 : i32
      %dma_wait3A_39 = tpu.memref_slice %arg4[%add3A, %dma_wait3A_37, %dma_wait3A_38] : memref<32x79x128xi32, #tpu.memory_space<hbm>> -> memref<1x79x128xi32, #tpu.memory_space<hbm>>
      %dma_wait3A_40 = tpu.memref_squeeze %dma_wait3A_39 : memref<1x79x128xi32, #tpu.memory_space<hbm>> -> memref<79x128xi32, #tpu.memory_space<hbm>>
      tpu.wait_dma2 semaphore(%run_scoped3A : memref<!tpu.dma_semaphore, #tpu.memory_space<semaphore_mem>>) src(%dma_wait3A_40 : memref<79x128xi32, #tpu.memory_space<hbm>>) dst(%arg7 : memref<79x128xi32, #tpu.memory_space<vmem>>)
      tpu.yield
    }) : () -> ()
    %barrier3A = arith.constant 0 : index
    tpu.barrier barrier_id(%barrier3A)
    %scan3A_19 = arith.constant 0 : i32
    %scan3A_20 = arith.constant 0 : i32
    %scan3A_21 = arith.constant 79 : i32
    %scan3A_22 = arith.addi %scan3A_20, %scan3A_21 : i32
    %scan3A_23 = arith.constant 1 : i32
    %scan3A_24 = scf.for %scan3A_27 = %scan3A_20 to %scan3A_22 step %scan3A_23 iter_args(%scan3A_28 = %scan3A_19) -> (i32)  : i32 {
      %dma_start3A = arith.constant 0 : i32
      %dma_start3A_29 = tpu.memref_slice %arg6[%scan3A_27, %dma_start3A] : memref<79x128xi32, #tpu.memory_space<vmem>> -> memref<1x128xi32, #tpu.memory_space<vmem>>
      %dma_start3A_30 = tpu.memref_squeeze %dma_start3A_29 : memref<1x128xi32, #tpu.memory_space<vmem>> -> memref<128xi32, #tpu.memory_space<vmem>>
      %dma_start3A_31 = arith.constant 0 : i32
      %dma_start3A_32 = arith.constant 0 : i32
      %dma_start3A_33 = tpu.memref_slice %arg2[%dma_start3A_31, %dma_start3A_32] : memref<10000x144xf32, #tpu.memory_space<hbm>> -> memref<10000x144xf32, #tpu.memory_space<hbm>>
      tpu.enqueue_indirect_dma source(%dma_start3A_33 : memref<10000x144xf32, #tpu.memory_space<hbm>>) target(%arg8 : memref<128x144xf32, #tpu.memory_space<vmem>>) offsets(%dma_start3A_30 : memref<128xi32, #tpu.memory_space<vmem>>) semaphore(%arg10 : memref<!tpu.dma_semaphore, #tpu.memory_space<semaphore_mem>>)
      %dma_wait3A = arith.constant 0 : i32
      %dma_wait3A_34 = tpu.memref_slice %arg6[%scan3A_27, %dma_wait3A] : memref<79x128xi32, #tpu.memory_space<vmem>> -> memref<1x128xi32, #tpu.memory_space<vmem>>
      %dma_wait3A_35 = tpu.memref_squeeze %dma_wait3A_34 : memref<1x128xi32, #tpu.memory_space<vmem>> -> memref<128xi32, #tpu.memory_space<vmem>>
      %dma_wait3A_36 = arith.constant 0 : i32
      %dma_wait3A_37 = arith.constant 0 : i32
      %dma_wait3A_38 = tpu.memref_slice %arg2[%dma_wait3A_36, %dma_wait3A_37] : memref<10000x144xf32, #tpu.memory_space<hbm>> -> memref<10000x144xf32, #tpu.memory_space<hbm>>
      tpu.wait_indirect_dma semaphore(%arg10 : memref<!tpu.dma_semaphore, #tpu.memory_space<semaphore_mem>>) src(%dma_wait3A_38 : memref<10000x144xf32, #tpu.memory_space<hbm>>) dst(%arg8 : memref<128x144xf32, #tpu.memory_space<vmem>>)
      "tpu.region"() ({
        %run_scoped3A = tpu.sem_alloc : memref<!tpu.dma_semaphore, #tpu.memory_space<semaphore_mem>>
        %dma_start3A_40 = arith.constant 0 : i32
        %dma_start3A_41 = tpu.memref_slice %arg7[%scan3A_27, %dma_start3A_40] : memref<79x128xi32, #tpu.memory_space<vmem>> -> memref<1x128xi32, #tpu.memory_space<vmem>>
        %dma_start3A_42 = tpu.memref_squeeze %dma_start3A_41 : memref<1x128xi32, #tpu.memory_space<vmem>> -> memref<128xi32, #tpu.memory_space<vmem>>
        %dma_start3A_43 = arith.constant 0 : i32
        %dma_start3A_44 = arith.constant 0 : i32
        %dma_start3A_45 = tpu.memref_slice %arg9[%dma_start3A_43, %dma_start3A_44] : memref<10240x144xf32, #tpu.memory_space<vmem_shared>> -> memref<10240x144xf32, #tpu.memory_space<vmem_shared>>
        tpu.enqueue_indirect_dma source(%arg8 : memref<128x144xf32, #tpu.memory_space<vmem>>) target(%dma_start3A_45 : memref<10240x144xf32, #tpu.memory_space<vmem_shared>>) offsets(%dma_start3A_42 : memref<128xi32, #tpu.memory_space<vmem>>) semaphore(%run_scoped3A : memref<!tpu.dma_semaphore, #tpu.memory_space<semaphore_mem>>) {add = true}
        %dma_wait3A_46 = arith.constant 0 : i32
        %dma_wait3A_47 = tpu.memref_slice %arg7[%scan3A_27, %dma_wait3A_46] : memref<79x128xi32, #tpu.memory_space<vmem>> -> memref<1x128xi32, #tpu.memory_space<vmem>>
        %dma_wait3A_48 = tpu.memref_squeeze %dma_wait3A_47 : memref<1x128xi32, #tpu.memory_space<vmem>> -> memref<128xi32, #tpu.memory_space<vmem>>
        %dma_wait3A_49 = arith.constant 0 : i32
        %dma_wait3A_50 = arith.constant 0 : i32
        %dma_wait3A_51 = tpu.memref_slice %arg9[%dma_wait3A_49, %dma_wait3A_50] : memref<10240x144xf32, #tpu.memory_space<vmem_shared>> -> memref<10240x144xf32, #tpu.memory_space<vmem_shared>>
        tpu.wait_indirect_dma semaphore(%run_scoped3A : memref<!tpu.dma_semaphore, #tpu.memory_space<semaphore_mem>>) src(%arg8 : memref<128x144xf32, #tpu.memory_space<vmem>>) dst(%dma_wait3A_51 : memref<10240x144xf32, #tpu.memory_space<vmem_shared>>)
        tpu.yield
      }) : () -> ()
      %scan3A_39 = arith.constant 0 : i32
      scf.yield %scan3A_39 : i32
    }
    %scan3A_25 = arith.constant 79 : i32
    %barrier3A_26 = arith.constant 0 : index
    tpu.barrier barrier_id(%barrier3A_26)
    "tpu.region"() ({
      %run_scoped3A = tpu.sem_alloc : memref<!tpu.dma_semaphore, #tpu.memory_space<semaphore_mem>>
      %dma_start3A = arith.constant 0 : i32
      %dma_start3A_27 = arith.constant 0 : i32
      %dma_start3A_28 = tpu.memref_slice %arg5[%arg0, %dma_start3A, %dma_start3A_27] : memref<2x10240x144xf32, #tpu.memory_space<hbm>> -> memref<1x10240x144xf32, #tpu.memory_space<hbm>>
      %dma_start3A_29 = tpu.memref_squeeze %dma_start3A_28 : memref<1x10240x144xf32, #tpu.memory_space<hbm>> -> memref<10240x144xf32, #tpu.memory_space<hbm>>
      %dma_start3A_30 = arith.constant 0 : i32
      %dma_start3A_31 = tpu.memref_slice %dma_start3A_29[%mul3A_8, %dma_start3A_30] : memref<10240x144xf32, #tpu.memory_space<hbm>> -> memref<640x144xf32, #tpu.memory_space<hbm>>
      %dma_start3A_32 = arith.constant 0 : i32
      %dma_start3A_33 = tpu.memref_slice %arg9[%mul3A_8, %dma_start3A_32] : memref<10240x144xf32, #tpu.memory_space<vmem_shared>> -> memref<640x144xf32, #tpu.memory_space<vmem_shared>>
      tpu.enqueue_dma source(%dma_start3A_33 : memref<640x144xf32, #tpu.memory_space<vmem_shared>>) target(%dma_start3A_31 : memref<640x144xf32, #tpu.memory_space<hbm>>) target_semaphore(%run_scoped3A : memref<!tpu.dma_semaphore, #tpu.memory_space<semaphore_mem>>)
      %dma_wait3A = arith.constant 0 : i32
      %dma_wait3A_34 = arith.constant 0 : i32
      %dma_wait3A_35 = tpu.memref_slice %arg5[%arg0, %dma_wait3A, %dma_wait3A_34] : memref<2x10240x144xf32, #tpu.memory_space<hbm>> -> memref<1x10240x144xf32, #tpu.memory_space<hbm>>
      %dma_wait3A_36 = tpu.memref_squeeze %dma_wait3A_35 : memref<1x10240x144xf32, #tpu.memory_space<hbm>> -> memref<10240x144xf32, #tpu.memory_space<hbm>>
      %dma_wait3A_37 = arith.constant 0 : i32
      %dma_wait3A_38 = tpu.memref_slice %dma_wait3A_36[%mul3A_8, %dma_wait3A_37] : memref<10240x144xf32, #tpu.memory_space<hbm>> -> memref<640x144xf32, #tpu.memory_space<hbm>>
      %dma_wait3A_39 = arith.constant 0 : i32
      %dma_wait3A_40 = tpu.memref_slice %arg9[%mul3A_8, %dma_wait3A_39] : memref<10240x144xf32, #tpu.memory_space<vmem_shared>> -> memref<640x144xf32, #tpu.memory_space<vmem_shared>>
      tpu.wait_dma2 semaphore(%run_scoped3A : memref<!tpu.dma_semaphore, #tpu.memory_space<semaphore_mem>>) src(%dma_wait3A_40 : memref<640x144xf32, #tpu.memory_space<vmem_shared>>) dst(%dma_wait3A_38 : memref<640x144xf32, #tpu.memory_space<hbm>>)
      tpu.yield
    }) : () -> ()
    return
  }
}

#map = affine_map<(d0, d1) -> (0, 0)>
#map1 = affine_map<(d0, d1) -> (0, 0, 0)>
module attributes {stable_mosaic.version = 14 : i64} {
  func.func @body(%arg0: i32, %arg1: i32, %arg2: memref<10000x128xf32, #tpu.memory_space<hbm>>, %arg3: memref<32x79x128xi32, #tpu.memory_space<hbm>>, %arg4: memref<32x79x128xi32, #tpu.memory_space<hbm>>, %arg5: memref<2x10240x128xf32, #tpu.memory_space<hbm>>, %arg6: memref<79x128xi32, #tpu.memory_space<vmem>>, %arg7: memref<79x128xi32, #tpu.memory_space<vmem>>, %arg8: memref<128x128xf32, #tpu.memory_space<vmem>>, %arg9: memref<10240x128xf32, #tpu.memory_space<vmem_shared>>, %arg10: memref<!tpu.dma_semaphore, #tpu.memory_space<semaphore_mem>>) attributes {dimension_semantics = [#tpu.dimension_semantics<core_parallel>, #tpu.dimension_semantics<subcore_parallel>], iteration_bounds = array<i64: 2, 16>, scalar_prefetch = 0 : i64, scratch_operands = 5 : i64, tpu.core_type = #tpu.core_type<sc_vector_subcore>, window_params = [{transform_indices = #map}, {transform_indices = #map1}, {transform_indices = #map1}, {transform_indices = #map1}]} {
    %mul3A = arith.constant 16 : i32
    %mul3A_0 = arith.muli %arg0, %mul3A : i32
    %add3A = arith.addi %mul3A_0, %arg1 : i32
    %scan3A = arith.constant 0 : i32
    %scan3A_1 = arith.constant 0 : i32
    %scan3A_2 = arith.constant 1024 : i32
    %scan3A_3 = arith.addi %scan3A_1, %scan3A_2 : i32
    %scan3A_4 = arith.constant 1 : i32
    %scan3A_5 = scf.for %scan3A_27 = %scan3A_1 to %scan3A_3 step %scan3A_4 iter_args(%scan3A_28 = %scan3A) -> (i32)  : i32 {
      %jit3A = arith.constant 8 : i32
      %div3A = arith.divsi %scan3A_27, %jit3A : i32
      %sign3A = arith.constant 0 : i32
      %sign3A_29 = arith.cmpi sgt, %scan3A_27, %sign3A : i32
      %sign3A_30 = arith.extui %sign3A_29 : i1 to i32
      %sign3A_31 = arith.constant 0 : i32
      %sign3A_32 = arith.cmpi slt, %scan3A_27, %sign3A_31 : i32
      %sign3A_33 = arith.extui %sign3A_32 : i1 to i32
      %sign3A_34 = arith.subi %sign3A_30, %sign3A_33 : i32
      %sign3A_35 = arith.constant 0 : i32
      %sign3A_36 = arith.cmpi sgt, %jit3A, %sign3A_35 : i32
      %sign3A_37 = arith.extui %sign3A_36 : i1 to i32
      %sign3A_38 = arith.constant 0 : i32
      %sign3A_39 = arith.cmpi slt, %jit3A, %sign3A_38 : i32
      %sign3A_40 = arith.extui %sign3A_39 : i1 to i32
      %sign3A_41 = arith.subi %sign3A_37, %sign3A_40 : i32
      %ne3A = arith.cmpi ne, %sign3A_34, %sign3A_41 : i32
      %rem3A = arith.remsi %scan3A_27, %jit3A : i32
      %ne3A_42 = arith.constant 0 : i32
      %ne3A_43 = arith.cmpi ne, %rem3A, %ne3A_42 : i32
      %and3A = arith.andi %ne3A, %ne3A_43 : i1
      %sub3A = arith.constant 1 : i32
      %sub3A_44 = arith.subi %div3A, %sub3A : i32
      %select_n3A = arith.select %and3A, %sub3A_44, %div3A : i32
      %jit3A_45 = arith.constant 8 : i32
      %eq3A = arith.constant 0 : i32
      %eq3A_46 = arith.cmpi eq, %jit3A_45, %eq3A : i32
      %jit3A_47 = arith.constant 1 : i32
      %select_n3A_48 = arith.select %eq3A_46, %jit3A_47, %jit3A_45 : i32
      %rem3A_49 = arith.remsi %scan3A_27, %select_n3A_48 : i32
      %ne3A_50 = arith.constant 0 : i32
      %ne3A_51 = arith.cmpi ne, %rem3A_49, %ne3A_50 : i32
      %lt3A = arith.constant 0 : i32
      %lt3A_52 = arith.cmpi slt, %rem3A_49, %lt3A : i32
      %lt3A_53 = arith.constant 0 : i32
      %lt3A_54 = arith.cmpi slt, %select_n3A_48, %lt3A_53 : i32
      %ne3A_55 = arith.xori %lt3A_52, %lt3A_54 : i1
      %and3A_56 = arith.andi %ne3A_55, %ne3A_51 : i1
      %add3A_57 = arith.addi %rem3A_49, %select_n3A_48 : i32
      %select_n3A_58 = arith.select %and3A_56, %add3A_57, %rem3A_49 : i32
      %mul3A_59 = arith.constant 16 : i32
      %mul3A_60 = arith.muli %select_n3A_58, %mul3A_59 : i32
      %broadcast_in_dim3A = arith.constant 0.000000e+00 : f32
      %broadcast_in_dim3A_61 = vector.broadcast %broadcast_in_dim3A : f32 to vector<16xf32>
      %swap3A = arith.index_cast %select_n3A : i32 to index
      %swap3A_62 = arith.index_cast %mul3A_60 : i32 to index
      %swap3A_63 = tpu.vector_load %arg8[%swap3A, %swap3A_62] {strides = array<i32>} : memref<128x128xf32, #tpu.memory_space<vmem>>, vector<1x16xf32>,
      %swap3A_64 = vector.shape_cast %swap3A_63 : vector<1x16xf32> to vector<16xf32>
      %swap3A_65 = vector.shape_cast %broadcast_in_dim3A_61 : vector<16xf32> to vector<1x16xf32>
      tpu.vector_store %arg8[%swap3A, %swap3A_62], %swap3A_65 {strides = array<i32>} : memref<128x128xf32, #tpu.memory_space<vmem>>, vector<1x16xf32>,
      %scan3A_66 = arith.constant 0 : i32
      scf.yield %scan3A_66 : i32
    }
    %scan3A_6 = arith.constant 1024 : i32
    %mul3A_7 = arith.constant 640 : i32
    %mul3A_8 = arith.muli %arg1, %mul3A_7 : i32
    %add3A_9 = arith.constant 0 : i32
    %add3A_10 = arith.addi %mul3A_8, %add3A_9 : i32
    "tpu.region"() ({
      %run_scoped3A = tpu.sem_alloc : memref<!tpu.dma_semaphore, #tpu.memory_space<semaphore_mem>>
      %dma_start3A = arith.constant 0 : i32
      %dma_start3A_27 = tpu.memref_slice %arg9[%add3A_10, %dma_start3A] : memref<10240x128xf32, #tpu.memory_space<vmem_shared>> -> memref<128x128xf32, #tpu.memory_space<vmem_shared>>
      %dma_start3A_28 = arith.constant 0 : i32
      %dma_start3A_29 = tpu.memref_slice %arg9[%add3A_10, %dma_start3A_28] : memref<10240x128xf32, #tpu.memory_space<vmem_shared>> -> memref<128x128xf32, #tpu.memory_space<vmem_shared>>
      tpu.enqueue_dma source(%arg8 : memref<128x128xf32, #tpu.memory_space<vmem>>) target(%dma_start3A_29 : memref<128x128xf32, #tpu.memory_space<vmem_shared>>) target_semaphore(%run_scoped3A : memref<!tpu.dma_semaphore, #tpu.memory_space<semaphore_mem>>)
      %dma_wait3A = arith.constant 0 : i32
      %dma_wait3A_30 = tpu.memref_slice %arg9[%add3A_10, %dma_wait3A] : memref<10240x128xf32, #tpu.memory_space<vmem_shared>> -> memref<128x128xf32, #tpu.memory_space<vmem_shared>>
      %dma_wait3A_31 = arith.constant 0 : i32
      %dma_wait3A_32 = tpu.memref_slice %arg9[%add3A_10, %dma_wait3A_31] : memref<10240x128xf32, #tpu.memory_space<vmem_shared>> -> memref<128x128xf32, #tpu.memory_space<vmem_shared>>
      tpu.wait_dma2 semaphore(%run_scoped3A : memref<!tpu.dma_semaphore, #tpu.memory_space<semaphore_mem>>) src(%arg8 : memref<128x128xf32, #tpu.memory_space<vmem>>) dst(%dma_wait3A_32 : memref<128x128xf32, #tpu.memory_space<vmem_shared>>)
      tpu.yield
    }) : () -> ()
    %add3A_11 = arith.constant 128 : i32
    %add3A_12 = arith.addi %mul3A_8, %add3A_11 : i32
    "tpu.region"() ({
      %run_scoped3A = tpu.sem_alloc : memref<!tpu.dma_semaphore, #tpu.memory_space<semaphore_mem>>
      %dma_start3A = arith.constant 0 : i32
      %dma_start3A_27 = tpu.memref_slice %arg9[%add3A_12, %dma_start3A] : memref<10240x128xf32, #tpu.memory_space<vmem_shared>> -> memref<128x128xf32, #tpu.memory_space<vmem_shared>>
      %dma_start3A_28 = arith.constant 0 : i32
      %dma_start3A_29 = tpu.memref_slice %arg9[%add3A_12, %dma_start3A_28] : memref<10240x128xf32, #tpu.memory_space<vmem_shared>> -> memref<128x128xf32, #tpu.memory_space<vmem_shared>>
      tpu.enqueue_dma source(%arg8 : memref<128x128xf32, #tpu.memory_space<vmem>>) target(%dma_start3A_29 : memref<128x128xf32, #tpu.memory_space<vmem_shared>>) target_semaphore(%run_scoped3A : memref<!tpu.dma_semaphore, #tpu.memory_space<semaphore_mem>>)
      %dma_wait3A = arith.constant 0 : i32
      %dma_wait3A_30 = tpu.memref_slice %arg9[%add3A_12, %dma_wait3A] : memref<10240x128xf32, #tpu.memory_space<vmem_shared>> -> memref<128x128xf32, #tpu.memory_space<vmem_shared>>
      %dma_wait3A_31 = arith.constant 0 : i32
      %dma_wait3A_32 = tpu.memref_slice %arg9[%add3A_12, %dma_wait3A_31] : memref<10240x128xf32, #tpu.memory_space<vmem_shared>> -> memref<128x128xf32, #tpu.memory_space<vmem_shared>>
      tpu.wait_dma2 semaphore(%run_scoped3A : memref<!tpu.dma_semaphore, #tpu.memory_space<semaphore_mem>>) src(%arg8 : memref<128x128xf32, #tpu.memory_space<vmem>>) dst(%dma_wait3A_32 : memref<128x128xf32, #tpu.memory_space<vmem_shared>>)
      tpu.yield
    }) : () -> ()
    %add3A_13 = arith.constant 256 : i32
    %add3A_14 = arith.addi %mul3A_8, %add3A_13 : i32
    "tpu.region"() ({
      %run_scoped3A = tpu.sem_alloc : memref<!tpu.dma_semaphore, #tpu.memory_space<semaphore_mem>>
      %dma_start3A = arith.constant 0 : i32
      %dma_start3A_27 = tpu.memref_slice %arg9[%add3A_14, %dma_start3A] : memref<10240x128xf32, #tpu.memory_space<vmem_shared>> -> memref<128x128xf32, #tpu.memory_space<vmem_shared>>
      %dma_start3A_28 = arith.constant 0 : i32
      %dma_start3A_29 = tpu.memref_slice %arg9[%add3A_14, %dma_start3A_28] : memref<10240x128xf32, #tpu.memory_space<vmem_shared>> -> memref<128x128xf32, #tpu.memory_space<vmem_shared>>
      tpu.enqueue_dma source(%arg8 : memref<128x128xf32, #tpu.memory_space<vmem>>) target(%dma_start3A_29 : memref<128x128xf32, #tpu.memory_space<vmem_shared>>) target_semaphore(%run_scoped3A : memref<!tpu.dma_semaphore, #tpu.memory_space<semaphore_mem>>)
      %dma_wait3A = arith.constant 0 : i32
      %dma_wait3A_30 = tpu.memref_slice %arg9[%add3A_14, %dma_wait3A] : memref<10240x128xf32, #tpu.memory_space<vmem_shared>> -> memref<128x128xf32, #tpu.memory_space<vmem_shared>>
      %dma_wait3A_31 = arith.constant 0 : i32
      %dma_wait3A_32 = tpu.memref_slice %arg9[%add3A_14, %dma_wait3A_31] : memref<10240x128xf32, #tpu.memory_space<vmem_shared>> -> memref<128x128xf32, #tpu.memory_space<vmem_shared>>
      tpu.wait_dma2 semaphore(%run_scoped3A : memref<!tpu.dma_semaphore, #tpu.memory_space<semaphore_mem>>) src(%arg8 : memref<128x128xf32, #tpu.memory_space<vmem>>) dst(%dma_wait3A_32 : memref<128x128xf32, #tpu.memory_space<vmem_shared>>)
      tpu.yield
    }) : () -> ()
    %add3A_15 = arith.constant 384 : i32
    %add3A_16 = arith.addi %mul3A_8, %add3A_15 : i32
    "tpu.region"() ({
      %run_scoped3A = tpu.sem_alloc : memref<!tpu.dma_semaphore, #tpu.memory_space<semaphore_mem>>
      %dma_start3A = arith.constant 0 : i32
      %dma_start3A_27 = tpu.memref_slice %arg9[%add3A_16, %dma_start3A] : memref<10240x128xf32, #tpu.memory_space<vmem_shared>> -> memref<128x128xf32, #tpu.memory_space<vmem_shared>>
      %dma_start3A_28 = arith.constant 0 : i32
      %dma_start3A_29 = tpu.memref_slice %arg9[%add3A_16, %dma_start3A_28] : memref<10240x128xf32, #tpu.memory_space<vmem_shared>> -> memref<128x128xf32, #tpu.memory_space<vmem_shared>>
      tpu.enqueue_dma source(%arg8 : memref<128x128xf32, #tpu.memory_space<vmem>>) target(%dma_start3A_29 : memref<128x128xf32, #tpu.memory_space<vmem_shared>>) target_semaphore(%run_scoped3A : memref<!tpu.dma_semaphore, #tpu.memory_space<semaphore_mem>>)
      %dma_wait3A = arith.constant 0 : i32
      %dma_wait3A_30 = tpu.memref_slice %arg9[%add3A_16, %dma_wait3A] : memref<10240x128xf32, #tpu.memory_space<vmem_shared>> -> memref<128x128xf32, #tpu.memory_space<vmem_shared>>
      %dma_wait3A_31 = arith.constant 0 : i32
      %dma_wait3A_32 = tpu.memref_slice %arg9[%add3A_16, %dma_wait3A_31] : memref<10240x128xf32, #tpu.memory_space<vmem_shared>> -> memref<128x128xf32, #tpu.memory_space<vmem_shared>>
      tpu.wait_dma2 semaphore(%run_scoped3A : memref<!tpu.dma_semaphore, #tpu.memory_space<semaphore_mem>>) src(%arg8 : memref<128x128xf32, #tpu.memory_space<vmem>>) dst(%dma_wait3A_32 : memref<128x128xf32, #tpu.memory_space<vmem_shared>>)
      tpu.yield
    }) : () -> ()
    %add3A_17 = arith.constant 512 : i32
    %add3A_18 = arith.addi %mul3A_8, %add3A_17 : i32
    "tpu.region"() ({
      %run_scoped3A = tpu.sem_alloc : memref<!tpu.dma_semaphore, #tpu.memory_space<semaphore_mem>>
      %dma_start3A = arith.constant 0 : i32
      %dma_start3A_27 = tpu.memref_slice %arg9[%add3A_18, %dma_start3A] : memref<10240x128xf32, #tpu.memory_space<vmem_shared>> -> memref<128x128xf32, #tpu.memory_space<vmem_shared>>
      %dma_start3A_28 = arith.constant 0 : i32
      %dma_start3A_29 = tpu.memref_slice %arg9[%add3A_18, %dma_start3A_28] : memref<10240x128xf32, #tpu.memory_space<vmem_shared>> -> memref<128x128xf32, #tpu.memory_space<vmem_shared>>
      tpu.enqueue_dma source(%arg8 : memref<128x128xf32, #tpu.memory_space<vmem>>) target(%dma_start3A_29 : memref<128x128xf32, #tpu.memory_space<vmem_shared>>) target_semaphore(%run_scoped3A : memref<!tpu.dma_semaphore, #tpu.memory_space<semaphore_mem>>)
      %dma_wait3A = arith.constant 0 : i32
      %dma_wait3A_30 = tpu.memref_slice %arg9[%add3A_18, %dma_wait3A] : memref<10240x128xf32, #tpu.memory_space<vmem_shared>> -> memref<128x128xf32, #tpu.memory_space<vmem_shared>>
      %dma_wait3A_31 = arith.constant 0 : i32
      %dma_wait3A_32 = tpu.memref_slice %arg9[%add3A_18, %dma_wait3A_31] : memref<10240x128xf32, #tpu.memory_space<vmem_shared>> -> memref<128x128xf32, #tpu.memory_space<vmem_shared>>
      tpu.wait_dma2 semaphore(%run_scoped3A : memref<!tpu.dma_semaphore, #tpu.memory_space<semaphore_mem>>) src(%arg8 : memref<128x128xf32, #tpu.memory_space<vmem>>) dst(%dma_wait3A_32 : memref<128x128xf32, #tpu.memory_space<vmem_shared>>)
      tpu.yield
    }) : () -> ()
    "tpu.region"() ({
      %run_scoped3A = tpu.sem_alloc : memref<!tpu.dma_semaphore, #tpu.memory_space<semaphore_mem>>
      %dma_start3A = arith.constant 0 : i32
      %dma_start3A_27 = arith.constant 0 : i32
      %dma_start3A_28 = tpu.memref_slice %arg3[%add3A, %dma_start3A, %dma_start3A_27] : memref<32x79x128xi32, #tpu.memory_space<hbm>> -> memref<1x79x128xi32, #tpu.memory_space<hbm>>
      %dma_start3A_29 = tpu.memref_squeeze %dma_start3A_28 : memref<1x79x128xi32, #tpu.memory_space<hbm>> -> memref<79x128xi32, #tpu.memory_space<hbm>>
      %dma_start3A_30 = arith.constant 0 : i32
      %dma_start3A_31 = arith.constant 0 : i32
      %dma_start3A_32 = tpu.memref_slice %arg3[%add3A, %dma_start3A_30, %dma_start3A_31] : memref<32x79x128xi32, #tpu.memory_space<hbm>> -> memref<1x79x128xi32, #tpu.memory_space<hbm>>
      %dma_start3A_33 = tpu.memref_squeeze %dma_start3A_32 : memref<1x79x128xi32, #tpu.memory_space<hbm>> -> memref<79x128xi32, #tpu.memory_space<hbm>>
      tpu.enqueue_dma source(%dma_start3A_33 : memref<79x128xi32, #tpu.memory_space<hbm>>) target(%arg6 : memref<79x128xi32, #tpu.memory_space<vmem>>) target_semaphore(%run_scoped3A : memref<!tpu.dma_semaphore, #tpu.memory_space<semaphore_mem>>)
      %dma_wait3A = arith.constant 0 : i32
      %dma_wait3A_34 = arith.constant 0 : i32
      %dma_wait3A_35 = tpu.memref_slice %arg3[%add3A, %dma_wait3A, %dma_wait3A_34] : memref<32x79x128xi32, #tpu.memory_space<hbm>> -> memref<1x79x128xi32, #tpu.memory_space<hbm>>
      %dma_wait3A_36 = tpu.memref_squeeze %dma_wait3A_35 : memref<1x79x128xi32, #tpu.memory_space<hbm>> -> memref<79x128xi32, #tpu.memory_space<hbm>>
      %dma_wait3A_37 = arith.constant 0 : i32
      %dma_wait3A_38 = arith.constant 0 : i32
      %dma_wait3A_39 = tpu.memref_slice %arg3[%add3A, %dma_wait3A_37, %dma_wait3A_38] : memref<32x79x128xi32, #tpu.memory_space<hbm>> -> memref<1x79x128xi32, #tpu.memory_space<hbm>>
      %dma_wait3A_40 = tpu.memref_squeeze %dma_wait3A_39 : memref<1x79x128xi32, #tpu.memory_space<hbm>> -> memref<79x128xi32, #tpu.memory_space<hbm>>
      tpu.wait_dma2 semaphore(%run_scoped3A : memref<!tpu.dma_semaphore, #tpu.memory_space<semaphore_mem>>) src(%dma_wait3A_40 : memref<79x128xi32, #tpu.memory_space<hbm>>) dst(%arg6 : memref<79x128xi32, #tpu.memory_space<vmem>>)
      tpu.yield
    }) : () -> ()
    "tpu.region"() ({
      %run_scoped3A = tpu.sem_alloc : memref<!tpu.dma_semaphore, #tpu.memory_space<semaphore_mem>>
      %dma_start3A = arith.constant 0 : i32
      %dma_start3A_27 = arith.constant 0 : i32
      %dma_start3A_28 = tpu.memref_slice %arg4[%add3A, %dma_start3A, %dma_start3A_27] : memref<32x79x128xi32, #tpu.memory_space<hbm>> -> memref<1x79x128xi32, #tpu.memory_space<hbm>>
      %dma_start3A_29 = tpu.memref_squeeze %dma_start3A_28 : memref<1x79x128xi32, #tpu.memory_space<hbm>> -> memref<79x128xi32, #tpu.memory_space<hbm>>
      %dma_start3A_30 = arith.constant 0 : i32
      %dma_start3A_31 = arith.constant 0 : i32
      %dma_start3A_32 = tpu.memref_slice %arg4[%add3A, %dma_start3A_30, %dma_start3A_31] : memref<32x79x128xi32, #tpu.memory_space<hbm>> -> memref<1x79x128xi32, #tpu.memory_space<hbm>>
      %dma_start3A_33 = tpu.memref_squeeze %dma_start3A_32 : memref<1x79x128xi32, #tpu.memory_space<hbm>> -> memref<79x128xi32, #tpu.memory_space<hbm>>
      tpu.enqueue_dma source(%dma_start3A_33 : memref<79x128xi32, #tpu.memory_space<hbm>>) target(%arg7 : memref<79x128xi32, #tpu.memory_space<vmem>>) target_semaphore(%run_scoped3A : memref<!tpu.dma_semaphore, #tpu.memory_space<semaphore_mem>>)
      %dma_wait3A = arith.constant 0 : i32
      %dma_wait3A_34 = arith.constant 0 : i32
      %dma_wait3A_35 = tpu.memref_slice %arg4[%add3A, %dma_wait3A, %dma_wait3A_34] : memref<32x79x128xi32, #tpu.memory_space<hbm>> -> memref<1x79x128xi32, #tpu.memory_space<hbm>>
      %dma_wait3A_36 = tpu.memref_squeeze %dma_wait3A_35 : memref<1x79x128xi32, #tpu.memory_space<hbm>> -> memref<79x128xi32, #tpu.memory_space<hbm>>
      %dma_wait3A_37 = arith.constant 0 : i32
      %dma_wait3A_38 = arith.constant 0 : i32
      %dma_wait3A_39 = tpu.memref_slice %arg4[%add3A, %dma_wait3A_37, %dma_wait3A_38] : memref<32x79x128xi32, #tpu.memory_space<hbm>> -> memref<1x79x128xi32, #tpu.memory_space<hbm>>
      %dma_wait3A_40 = tpu.memref_squeeze %dma_wait3A_39 : memref<1x79x128xi32, #tpu.memory_space<hbm>> -> memref<79x128xi32, #tpu.memory_space<hbm>>
      tpu.wait_dma2 semaphore(%run_scoped3A : memref<!tpu.dma_semaphore, #tpu.memory_space<semaphore_mem>>) src(%dma_wait3A_40 : memref<79x128xi32, #tpu.memory_space<hbm>>) dst(%arg7 : memref<79x128xi32, #tpu.memory_space<vmem>>)
      tpu.yield
    }) : () -> ()
    %barrier3A = arith.constant 0 : index
    tpu.barrier barrier_id(%barrier3A)
    %scan3A_19 = arith.constant 0 : i32
    %scan3A_20 = arith.constant 0 : i32
    %scan3A_21 = arith.constant 79 : i32
    %scan3A_22 = arith.addi %scan3A_20, %scan3A_21 : i32
    %scan3A_23 = arith.constant 1 : i32
    %scan3A_24 = scf.for %scan3A_27 = %scan3A_20 to %scan3A_22 step %scan3A_23 iter_args(%scan3A_28 = %scan3A_19) -> (i32)  : i32 {
      %dma_start3A = arith.constant 0 : i32
      %dma_start3A_29 = tpu.memref_slice %arg6[%scan3A_27, %dma_start3A] : memref<79x128xi32, #tpu.memory_space<vmem>> -> memref<1x128xi32, #tpu.memory_space<vmem>>
      %dma_start3A_30 = tpu.memref_squeeze %dma_start3A_29 : memref<1x128xi32, #tpu.memory_space<vmem>> -> memref<128xi32, #tpu.memory_space<vmem>>
      %dma_start3A_31 = arith.constant 0 : i32
      %dma_start3A_32 = arith.constant 0 : i32
      %dma_start3A_33 = tpu.memref_slice %arg2[%dma_start3A_31, %dma_start3A_32] : memref<10000x128xf32, #tpu.memory_space<hbm>> -> memref<10000x128xf32, #tpu.memory_space<hbm>>
      tpu.enqueue_indirect_dma source(%dma_start3A_33 : memref<10000x128xf32, #tpu.memory_space<hbm>>) target(%arg8 : memref<128x128xf32, #tpu.memory_space<vmem>>) offsets(%dma_start3A_30 : memref<128xi32, #tpu.memory_space<vmem>>) semaphore(%arg10 : memref<!tpu.dma_semaphore, #tpu.memory_space<semaphore_mem>>)
      %dma_wait3A = arith.constant 0 : i32
      %dma_wait3A_34 = tpu.memref_slice %arg6[%scan3A_27, %dma_wait3A] : memref<79x128xi32, #tpu.memory_space<vmem>> -> memref<1x128xi32, #tpu.memory_space<vmem>>
      %dma_wait3A_35 = tpu.memref_squeeze %dma_wait3A_34 : memref<1x128xi32, #tpu.memory_space<vmem>> -> memref<128xi32, #tpu.memory_space<vmem>>
      %dma_wait3A_36 = arith.constant 0 : i32
      %dma_wait3A_37 = arith.constant 0 : i32
      %dma_wait3A_38 = tpu.memref_slice %arg2[%dma_wait3A_36, %dma_wait3A_37] : memref<10000x128xf32, #tpu.memory_space<hbm>> -> memref<10000x128xf32, #tpu.memory_space<hbm>>
      tpu.wait_indirect_dma semaphore(%arg10 : memref<!tpu.dma_semaphore, #tpu.memory_space<semaphore_mem>>) src(%dma_wait3A_38 : memref<10000x128xf32, #tpu.memory_space<hbm>>) dst(%arg8 : memref<128x128xf32, #tpu.memory_space<vmem>>)
      "tpu.region"() ({
        %run_scoped3A = tpu.sem_alloc : memref<!tpu.dma_semaphore, #tpu.memory_space<semaphore_mem>>
        %dma_start3A_40 = arith.constant 0 : i32
        %dma_start3A_41 = tpu.memref_slice %arg7[%scan3A_27, %dma_start3A_40] : memref<79x128xi32, #tpu.memory_space<vmem>> -> memref<1x128xi32, #tpu.memory_space<vmem>>
        %dma_start3A_42 = tpu.memref_squeeze %dma_start3A_41 : memref<1x128xi32, #tpu.memory_space<vmem>> -> memref<128xi32, #tpu.memory_space<vmem>>
        %dma_start3A_43 = arith.constant 0 : i32
        %dma_start3A_44 = arith.constant 0 : i32
        %dma_start3A_45 = tpu.memref_slice %arg9[%dma_start3A_43, %dma_start3A_44] : memref<10240x128xf32, #tpu.memory_space<vmem_shared>> -> memref<10240x128xf32, #tpu.memory_space<vmem_shared>>
        tpu.enqueue_indirect_dma source(%arg8 : memref<128x128xf32, #tpu.memory_space<vmem>>) target(%dma_start3A_45 : memref<10240x128xf32, #tpu.memory_space<vmem_shared>>) offsets(%dma_start3A_42 : memref<128xi32, #tpu.memory_space<vmem>>) semaphore(%run_scoped3A : memref<!tpu.dma_semaphore, #tpu.memory_space<semaphore_mem>>) {add = true}
        %dma_wait3A_46 = arith.constant 0 : i32
        %dma_wait3A_47 = tpu.memref_slice %arg7[%scan3A_27, %dma_wait3A_46] : memref<79x128xi32, #tpu.memory_space<vmem>> -> memref<1x128xi32, #tpu.memory_space<vmem>>
        %dma_wait3A_48 = tpu.memref_squeeze %dma_wait3A_47 : memref<1x128xi32, #tpu.memory_space<vmem>> -> memref<128xi32, #tpu.memory_space<vmem>>
        %dma_wait3A_49 = arith.constant 0 : i32
        %dma_wait3A_50 = arith.constant 0 : i32
        %dma_wait3A_51 = tpu.memref_slice %arg9[%dma_wait3A_49, %dma_wait3A_50] : memref<10240x128xf32, #tpu.memory_space<vmem_shared>> -> memref<10240x128xf32, #tpu.memory_space<vmem_shared>>
        tpu.wait_indirect_dma semaphore(%run_scoped3A : memref<!tpu.dma_semaphore, #tpu.memory_space<semaphore_mem>>) src(%arg8 : memref<128x128xf32, #tpu.memory_space<vmem>>) dst(%dma_wait3A_51 : memref<10240x128xf32, #tpu.memory_space<vmem_shared>>)
        tpu.yield
      }) : () -> ()
      %scan3A_39 = arith.constant 0 : i32
      scf.yield %scan3A_39 : i32
    }
    %scan3A_25 = arith.constant 79 : i32
    %barrier3A_26 = arith.constant 0 : index
    tpu.barrier barrier_id(%barrier3A_26)
    "tpu.region"() ({
      %run_scoped3A = tpu.sem_alloc : memref<!tpu.dma_semaphore, #tpu.memory_space<semaphore_mem>>
      %dma_start3A = arith.constant 0 : i32
      %dma_start3A_27 = arith.constant 0 : i32
      %dma_start3A_28 = tpu.memref_slice %arg5[%arg0, %dma_start3A, %dma_start3A_27] : memref<2x10240x128xf32, #tpu.memory_space<hbm>> -> memref<1x10240x128xf32, #tpu.memory_space<hbm>>
      %dma_start3A_29 = tpu.memref_squeeze %dma_start3A_28 : memref<1x10240x128xf32, #tpu.memory_space<hbm>> -> memref<10240x128xf32, #tpu.memory_space<hbm>>
      %dma_start3A_30 = arith.constant 0 : i32
      %dma_start3A_31 = tpu.memref_slice %dma_start3A_29[%mul3A_8, %dma_start3A_30] : memref<10240x128xf32, #tpu.memory_space<hbm>> -> memref<640x128xf32, #tpu.memory_space<hbm>>
      %dma_start3A_32 = arith.constant 0 : i32
      %dma_start3A_33 = tpu.memref_slice %arg9[%mul3A_8, %dma_start3A_32] : memref<10240x128xf32, #tpu.memory_space<vmem_shared>> -> memref<640x128xf32, #tpu.memory_space<vmem_shared>>
      tpu.enqueue_dma source(%dma_start3A_33 : memref<640x128xf32, #tpu.memory_space<vmem_shared>>) target(%dma_start3A_31 : memref<640x128xf32, #tpu.memory_space<hbm>>) target_semaphore(%run_scoped3A : memref<!tpu.dma_semaphore, #tpu.memory_space<semaphore_mem>>)
      %dma_wait3A = arith.constant 0 : i32
      %dma_wait3A_34 = arith.constant 0 : i32
      %dma_wait3A_35 = tpu.memref_slice %arg5[%arg0, %dma_wait3A, %dma_wait3A_34] : memref<2x10240x128xf32, #tpu.memory_space<hbm>> -> memref<1x10240x128xf32, #tpu.memory_space<hbm>>
      %dma_wait3A_36 = tpu.memref_squeeze %dma_wait3A_35 : memref<1x10240x128xf32, #tpu.memory_space<hbm>> -> memref<10240x128xf32, #tpu.memory_space<hbm>>
      %dma_wait3A_37 = arith.constant 0 : i32
      %dma_wait3A_38 = tpu.memref_slice %dma_wait3A_36[%mul3A_8, %dma_wait3A_37] : memref<10240x128xf32, #tpu.memory_space<hbm>> -> memref<640x128xf32, #tpu.memory_space<hbm>>
      %dma_wait3A_39 = arith.constant 0 : i32
      %dma_wait3A_40 = tpu.memref_slice %arg9[%mul3A_8, %dma_wait3A_39] : memref<10240x128xf32, #tpu.memory_space<vmem_shared>> -> memref<640x128xf32, #tpu.memory_space<vmem_shared>>
      tpu.wait_dma2 semaphore(%run_scoped3A : memref<!tpu.dma_semaphore, #tpu.memory_space<semaphore_mem>>) src(%dma_wait3A_40 : memref<640x128xf32, #tpu.memory_space<vmem_shared>>) dst(%dma_wait3A_38 : memref<640x128xf32, #tpu.memory_space<hbm>>)
      tpu.yield
    }) : () -> ()
    return
  }
}

module attributes {stable_mosaic.version = 14 : i64} {
  func.func @body(%arg0: i32, %arg1: memref<2x2000x144xf32, #tpu.memory_space<vmem>>, %arg2: memref<2000x128xf32, #tpu.memory_space<vmem>>, %arg3: memref<128x256xf32, #tpu.memory_space<vmem>>, %arg4: memref<1x256xf32, #tpu.memory_space<vmem>>, %arg5: memref<128x256xf32, #tpu.memory_space<vmem>>, %arg6: memref<256x128xf32, #tpu.memory_space<vmem>>, %arg7: memref<2000x256xf32, #tpu.memory_space<vmem>>, %arg8: memref<2000x128xf32, #tpu.memory_space<vmem>>, %arg9: memref<2000x1xf32, #tpu.memory_space<vmem>>) attributes {dimension_semantics = [#tpu.dimension_semantics<arbitrary>], iteration_bounds = array<i64: 5>, scalar_prefetch = 0 : i64, scratch_operands = 0 : i64, tpu.core_type = #tpu.core_type<tc>, window_params = [{transform_indices = @transform_0, window_bounds = array<i64: 2, 2000, 144>}, {transform_indices = @transform_1, window_bounds = array<i64: 2000, 128>}, {pipeline_mode = #tpu.pipeline_mode<synchronous>, transform_indices = @transform_2, window_bounds = array<i64: 128, 256>}, {pipeline_mode = #tpu.pipeline_mode<synchronous>, transform_indices = @transform_3, window_bounds = array<i64: 1, 256>}, {pipeline_mode = #tpu.pipeline_mode<synchronous>, transform_indices = @transform_4, window_bounds = array<i64: 128, 256>}, {pipeline_mode = #tpu.pipeline_mode<synchronous>, transform_indices = @transform_5, window_bounds = array<i64: 256, 128>}, {transform_indices = @transform_6, window_bounds = array<i64: 2000, 256>}, {transform_indices = @transform_7, window_bounds = array<i64: 2000, 128>}, {transform_indices = @transform_8, window_bounds = array<i64: 2000, 1>}]} {
    %get3A = arith.constant 0 : index
    %get3A_0 = arith.constant 0 : index
    %get3A_1 = arith.constant 0 : index
    %get3A_2 = vector.load %arg1[%get3A, %get3A_0, %get3A_1] : memref<2x2000x144xf32, #tpu.memory_space<vmem>>, vector<1x2000x144xf32>
    %get3A_3 = vector.shape_cast %get3A_2 : vector<1x2000x144xf32> to vector<2000x144xf32>
    %get3A_4 = arith.constant 1 : index
    %get3A_5 = arith.constant 0 : index
    %get3A_6 = arith.constant 0 : index
    %get3A_7 = vector.load %arg1[%get3A_4, %get3A_5, %get3A_6] : memref<2x2000x144xf32, #tpu.memory_space<vmem>>, vector<1x2000x144xf32>
    %get3A_8 = vector.shape_cast %get3A_7 : vector<1x2000x144xf32> to vector<2000x144xf32>
    %add3A = arith.addf %get3A_3, %get3A_8 : vector<2000x144xf32>
    %slice3A = vector.extract_strided_slice %add3A {offsets = [0, 128], sizes = [2000, 1], strides = [1, 1]} : vector<2000x144xf32> to vector<2000x1xf32>
    %max3A = arith.constant 1.000000e+00 : f32
    %max3A_9 = vector.broadcast %max3A : f32 to vector<2000x1xf32>
    %max3A_10 = arith.maximumf %slice3A, %max3A_9 : vector<2000x1xf32>
    %div3A = arith.constant 1.000000e+00 : f32
    %div3A_11 = vector.broadcast %div3A : f32 to vector<2000x1xf32>
    %div3A_12 = arith.divf %div3A_11, %max3A_10 : vector<2000x1xf32>
    %slice3A_13 = vector.extract_strided_slice %add3A {offsets = [0, 0], sizes = [2000, 128], strides = [1, 1]} : vector<2000x144xf32> to vector<2000x128xf32>
    %mul3A = vector.broadcast %div3A_12 : vector<2000x1xf32> to vector<2000x128xf32>
    %mul3A_14 = arith.mulf %slice3A_13, %mul3A : vector<2000x128xf32>
    %get3A_15 = arith.constant 0 : index
    %get3A_16 = arith.constant 0 : index
    %get3A_17 = vector.load %arg3[%get3A_15, %get3A_16] : memref<128x256xf32, #tpu.memory_space<vmem>>, vector<128x256xf32>
    %dot_general3A = arith.constant dense<0.000000e+00> : vector<2000x256xf32>
    %dot_general3A_18 = tpu.matmul %mul3A_14, %get3A_17, %dot_general3A {dimension_numbers = #tpu.dot_dimension_numbers<[1], [0], [0], [1], [0, 0, 1, 1], [], []>, transpose_lhs_hint = false} : vector<2000x128xf32>, vector<128x256xf32>, vector<2000x256xf32> -> vector<2000x256xf32>
    %get3A_19 = arith.constant 0 : index
    %get3A_20 = arith.constant 0 : index
    %get3A_21 = vector.load %arg4[%get3A_19, %get3A_20] : memref<1x256xf32, #tpu.memory_space<vmem>>, vector<1x256xf32>
    %add3A_22 = vector.broadcast %get3A_21 : vector<1x256xf32> to vector<2000x256xf32>
    %add3A_23 = arith.addf %dot_general3A_18, %add3A_22 : vector<2000x256xf32>
    %get3A_24 = arith.constant 0 : index
    %get3A_25 = arith.constant 0 : index
    %get3A_26 = vector.load %arg2[%get3A_24, %get3A_25] : memref<2000x128xf32, #tpu.memory_space<vmem>>, vector<2000x128xf32>
    %get3A_27 = arith.constant 0 : index
    %get3A_28 = arith.constant 0 : index
    %get3A_29 = vector.load %arg5[%get3A_27, %get3A_28] : memref<128x256xf32, #tpu.memory_space<vmem>>, vector<128x256xf32>
    %dot_general3A_30 = arith.constant dense<0.000000e+00> : vector<2000x256xf32>
    %dot_general3A_31 = tpu.matmul %get3A_26, %get3A_29, %dot_general3A_30 {dimension_numbers = #tpu.dot_dimension_numbers<[1], [0], [0], [1], [0, 0, 1, 1], [], []>, transpose_lhs_hint = false} : vector<2000x128xf32>, vector<128x256xf32>, vector<2000x256xf32> -> vector<2000x256xf32>
    %add3A_32 = arith.addf %add3A_23, %dot_general3A_31 : vector<2000x256xf32>
    %max3A_33 = arith.constant 0.000000e+00 : f32
    %max3A_34 = vector.broadcast %max3A_33 : f32 to vector<2000x256xf32>
    %max3A_35 = arith.maximumf %add3A_32, %max3A_34 : vector<2000x256xf32>
    %swap3A = arith.constant 0 : index
    %swap3A_36 = arith.constant 0 : index
    %swap3A_37 = vector.load %arg7[%swap3A, %swap3A_36] : memref<2000x256xf32, #tpu.memory_space<vmem>>, vector<2000x256xf32>
    tpu.vector_store %arg7[%swap3A, %swap3A_36], %max3A_35 {strides = array<i32>} : memref<2000x256xf32, #tpu.memory_space<vmem>>, vector<2000x256xf32>,
    %get3A_38 = arith.constant 0 : index
    %get3A_39 = arith.constant 0 : index
    %get3A_40 = vector.load %arg6[%get3A_38, %get3A_39] : memref<256x128xf32, #tpu.memory_space<vmem>>, vector<256x128xf32>
    %dot_general3A_41 = arith.constant dense<0.000000e+00> : vector<2000x128xf32>
    %dot_general3A_42 = tpu.matmul %max3A_35, %get3A_40, %dot_general3A_41 {dimension_numbers = #tpu.dot_dimension_numbers<[1], [0], [0], [1], [0, 0, 1, 1], [], []>, transpose_lhs_hint = false} : vector<2000x256xf32>, vector<256x128xf32>, vector<2000x128xf32> -> vector<2000x128xf32>
    %swap3A_43 = arith.constant 0 : index
    %swap3A_44 = arith.constant 0 : index
    %swap3A_45 = vector.load %arg8[%swap3A_43, %swap3A_44] : memref<2000x128xf32, #tpu.memory_space<vmem>>, vector<2000x128xf32>
    tpu.vector_store %arg8[%swap3A_43, %swap3A_44], %dot_general3A_42 {strides = array<i32>} : memref<2000x128xf32, #tpu.memory_space<vmem>>, vector<2000x128xf32>,
    %swap3A_46 = arith.constant 0 : index
    %swap3A_47 = arith.constant 0 : index
    %swap3A_48 = vector.load %arg9[%swap3A_46, %swap3A_47] : memref<2000x1xf32, #tpu.memory_space<vmem>>, vector<2000x1xf32>
    tpu.vector_store %arg9[%swap3A_46, %swap3A_47], %div3A_12 {strides = array<i32>} : memref<2000x1xf32, #tpu.memory_space<vmem>>, vector<2000x1xf32>,
    return
  }
  func.func @transform_0(%arg0: i32) -> (i32, i32, i32) {
    %c0_i32 = arith.constant 0 : i32
    %c0_i32_0 = arith.constant 0 : i32
    %c0_i32_1 = arith.constant 0 : i32
    return %c0_i32, %arg0, %c0_i32_0 : i32, i32, i32
  }
  func.func @transform_1(%arg0: i32) -> (i32, i32) {
    %c0_i32 = arith.constant 0 : i32
    %c0_i32_0 = arith.constant 0 : i32
    return %arg0, %c0_i32 : i32, i32
  }
  func.func @transform_2(%arg0: i32) -> (i32, i32) {
    %c0_i32 = arith.constant 0 : i32
    %c0_i32_0 = arith.constant 0 : i32
    %c0_i32_1 = arith.constant 0 : i32
    return %c0_i32, %c0_i32_0 : i32, i32
  }
  func.func @transform_3(%arg0: i32) -> (i32, i32) {
    %c0_i32 = arith.constant 0 : i32
    %c0_i32_0 = arith.constant 0 : i32
    %c0_i32_1 = arith.constant 0 : i32
    return %c0_i32, %c0_i32_0 : i32, i32
  }
  func.func @transform_4(%arg0: i32) -> (i32, i32) {
    %c0_i32 = arith.constant 0 : i32
    %c0_i32_0 = arith.constant 0 : i32
    %c0_i32_1 = arith.constant 0 : i32
    return %c0_i32, %c0_i32_0 : i32, i32
  }
  func.func @transform_5(%arg0: i32) -> (i32, i32) {
    %c0_i32 = arith.constant 0 : i32
    %c0_i32_0 = arith.constant 0 : i32
    %c0_i32_1 = arith.constant 0 : i32
    return %c0_i32, %c0_i32_0 : i32, i32
  }
  func.func @transform_6(%arg0: i32) -> (i32, i32) {
    %c0_i32 = arith.constant 0 : i32
    %c0_i32_0 = arith.constant 0 : i32
    return %arg0, %c0_i32 : i32, i32
  }
  func.func @transform_7(%arg0: i32) -> (i32, i32) {
    %c0_i32 = arith.constant 0 : i32
    %c0_i32_0 = arith.constant 0 : i32
    return %arg0, %c0_i32 : i32, i32
  }
  func.func @transform_8(%arg0: i32) -> (i32, i32) {
    %c0_i32 = arith.constant 0 : i32
    %c0_i32_0 = arith.constant 0 : i32
    return %arg0, %c0_i32 : i32, i32
  }
}

module attributes {stable_mosaic.version = 14 : i64} {
  func.func @body(%arg0: i32, %arg1: memref<2x2000x128xf32, #tpu.memory_space<vmem>>, %arg2: memref<2000x256xf32, #tpu.memory_space<vmem>>, %arg3: memref<2000x1xf32, #tpu.memory_space<vmem>>, %arg4: memref<1x128xf32, #tpu.memory_space<vmem>>, %arg5: memref<256x128xf32, #tpu.memory_space<vmem>>, %arg6: memref<128x32xf32, #tpu.memory_space<vmem>>, %arg7: memref<2000x128xf32, #tpu.memory_space<vmem>>, %arg8: memref<2000x32xf32, #tpu.memory_space<vmem>>) attributes {dimension_semantics = [#tpu.dimension_semantics<arbitrary>], iteration_bounds = array<i64: 5>, scalar_prefetch = 0 : i64, scratch_operands = 0 : i64, tpu.core_type = #tpu.core_type<tc>, window_params = [{transform_indices = @transform_0, window_bounds = array<i64: 2, 2000, 128>}, {transform_indices = @transform_1, window_bounds = array<i64: 2000, 256>}, {transform_indices = @transform_2, window_bounds = array<i64: 2000, 1>}, {pipeline_mode = #tpu.pipeline_mode<synchronous>, transform_indices = @transform_3, window_bounds = array<i64: 1, 128>}, {pipeline_mode = #tpu.pipeline_mode<synchronous>, transform_indices = @transform_4, window_bounds = array<i64: 256, 128>}, {pipeline_mode = #tpu.pipeline_mode<synchronous>, transform_indices = @transform_5, window_bounds = array<i64: 128, 32>}, {transform_indices = @transform_6, window_bounds = array<i64: 2000, 128>}, {transform_indices = @transform_7, window_bounds = array<i64: 2000, 32>}]} {
    %get3A = arith.constant 0 : index
    %get3A_0 = arith.constant 0 : index
    %get3A_1 = arith.constant 0 : index
    %get3A_2 = vector.load %arg1[%get3A, %get3A_0, %get3A_1] : memref<2x2000x128xf32, #tpu.memory_space<vmem>>, vector<1x2000x128xf32>
    %get3A_3 = vector.shape_cast %get3A_2 : vector<1x2000x128xf32> to vector<2000x128xf32>
    %get3A_4 = arith.constant 1 : index
    %get3A_5 = arith.constant 0 : index
    %get3A_6 = arith.constant 0 : index
    %get3A_7 = vector.load %arg1[%get3A_4, %get3A_5, %get3A_6] : memref<2x2000x128xf32, #tpu.memory_space<vmem>>, vector<1x2000x128xf32>
    %get3A_8 = vector.shape_cast %get3A_7 : vector<1x2000x128xf32> to vector<2000x128xf32>
    %add3A = arith.addf %get3A_3, %get3A_8 : vector<2000x128xf32>
    %get3A_9 = arith.constant 0 : index
    %get3A_10 = arith.constant 0 : index
    %get3A_11 = vector.load %arg3[%get3A_9, %get3A_10] : memref<2000x1xf32, #tpu.memory_space<vmem>>, vector<2000x1xf32>
    %mul3A = vector.broadcast %get3A_11 : vector<2000x1xf32> to vector<2000x128xf32>
    %mul3A_12 = arith.mulf %add3A, %mul3A : vector<2000x128xf32>
    %get3A_13 = arith.constant 0 : index
    %get3A_14 = arith.constant 0 : index
    %get3A_15 = vector.load %arg4[%get3A_13, %get3A_14] : memref<1x128xf32, #tpu.memory_space<vmem>>, vector<1x128xf32>
    %add3A_16 = vector.broadcast %get3A_15 : vector<1x128xf32> to vector<2000x128xf32>
    %add3A_17 = arith.addf %mul3A_12, %add3A_16 : vector<2000x128xf32>
    %get3A_18 = arith.constant 0 : index
    %get3A_19 = arith.constant 0 : index
    %get3A_20 = vector.load %arg2[%get3A_18, %get3A_19] : memref<2000x256xf32, #tpu.memory_space<vmem>>, vector<2000x256xf32>
    %get3A_21 = arith.constant 0 : index
    %get3A_22 = arith.constant 0 : index
    %get3A_23 = vector.load %arg5[%get3A_21, %get3A_22] : memref<256x128xf32, #tpu.memory_space<vmem>>, vector<256x128xf32>
    %dot_general3A = arith.constant dense<0.000000e+00> : vector<2000x128xf32>
    %dot_general3A_24 = tpu.matmul %get3A_20, %get3A_23, %dot_general3A {dimension_numbers = #tpu.dot_dimension_numbers<[1], [0], [0], [1], [0, 0, 1, 1], [], []>, transpose_lhs_hint = false} : vector<2000x256xf32>, vector<256x128xf32>, vector<2000x128xf32> -> vector<2000x128xf32>
    %add3A_25 = arith.addf %add3A_17, %dot_general3A_24 : vector<2000x128xf32>
    %max3A = arith.constant 0.000000e+00 : f32
    %max3A_26 = vector.broadcast %max3A : f32 to vector<2000x128xf32>
    %max3A_27 = arith.maximumf %add3A_25, %max3A_26 : vector<2000x128xf32>
    %swap3A = arith.constant 0 : index
    %swap3A_28 = arith.constant 0 : index
    %swap3A_29 = vector.load %arg7[%swap3A, %swap3A_28] : memref<2000x128xf32, #tpu.memory_space<vmem>>, vector<2000x128xf32>
    tpu.vector_store %arg7[%swap3A, %swap3A_28], %max3A_27 {strides = array<i32>} : memref<2000x128xf32, #tpu.memory_space<vmem>>, vector<2000x128xf32>,
    %get3A_30 = arith.constant 0 : index
    %get3A_31 = arith.constant 0 : index
    %get3A_32 = vector.load %arg6[%get3A_30, %get3A_31] : memref<128x32xf32, #tpu.memory_space<vmem>>, vector<128x32xf32>
    %dot_general3A_33 = arith.constant dense<0.000000e+00> : vector<2000x32xf32>
    %dot_general3A_34 = tpu.matmul %max3A_27, %get3A_32, %dot_general3A_33 {dimension_numbers = #tpu.dot_dimension_numbers<[1], [0], [0], [1], [0, 0, 1, 1], [], []>, transpose_lhs_hint = false} : vector<2000x128xf32>, vector<128x32xf32>, vector<2000x32xf32> -> vector<2000x32xf32>
    %swap3A_35 = arith.constant 0 : index
    %swap3A_36 = arith.constant 0 : index
    %swap3A_37 = vector.load %arg8[%swap3A_35, %swap3A_36] : memref<2000x32xf32, #tpu.memory_space<vmem>>, vector<2000x32xf32>
    tpu.vector_store %arg8[%swap3A_35, %swap3A_36], %dot_general3A_34 {strides = array<i32>} : memref<2000x32xf32, #tpu.memory_space<vmem>>, vector<2000x32xf32>,
    return
  }
  func.func @transform_0(%arg0: i32) -> (i32, i32, i32) {
    %c0_i32 = arith.constant 0 : i32
    %c0_i32_0 = arith.constant 0 : i32
    %c0_i32_1 = arith.constant 0 : i32
    return %c0_i32, %arg0, %c0_i32_0 : i32, i32, i32
  }
  func.func @transform_1(%arg0: i32) -> (i32, i32) {
    %c0_i32 = arith.constant 0 : i32
    %c0_i32_0 = arith.constant 0 : i32
    return %arg0, %c0_i32 : i32, i32
  }
  func.func @transform_2(%arg0: i32) -> (i32, i32) {
    %c0_i32 = arith.constant 0 : i32
    %c0_i32_0 = arith.constant 0 : i32
    return %arg0, %c0_i32 : i32, i32
  }
  func.func @transform_3(%arg0: i32) -> (i32, i32) {
    %c0_i32 = arith.constant 0 : i32
    %c0_i32_0 = arith.constant 0 : i32
    %c0_i32_1 = arith.constant 0 : i32
    return %c0_i32, %c0_i32_0 : i32, i32
  }
  func.func @transform_4(%arg0: i32) -> (i32, i32) {
    %c0_i32 = arith.constant 0 : i32
    %c0_i32_0 = arith.constant 0 : i32
    %c0_i32_1 = arith.constant 0 : i32
    return %c0_i32, %c0_i32_0 : i32, i32
  }
  func.func @transform_5(%arg0: i32) -> (i32, i32) {
    %c0_i32 = arith.constant 0 : i32
    %c0_i32_0 = arith.constant 0 : i32
    %c0_i32_1 = arith.constant 0 : i32
    return %c0_i32, %c0_i32_0 : i32, i32
  }
  func.func @transform_6(%arg0: i32) -> (i32, i32) {
    %c0_i32 = arith.constant 0 : i32
    %c0_i32_0 = arith.constant 0 : i32
    return %arg0, %c0_i32 : i32, i32
  }
  func.func @transform_7(%arg0: i32) -> (i32, i32) {
    %c0_i32 = arith.constant 0 : i32
    %c0_i32_0 = arith.constant 0 : i32
    return %arg0, %c0_i32 : i32, i32
  }
}

module attributes {stable_mosaic.version = 14 : i64} {
  func.func @body(%arg0: i32, %arg1: memref<2x2000x32xf32, #tpu.memory_space<vmem>>, %arg2: memref<2000x128xf32, #tpu.memory_space<vmem>>, %arg3: memref<2000x1xf32, #tpu.memory_space<vmem>>, %arg4: memref<1x32xf32, #tpu.memory_space<vmem>>, %arg5: memref<128x32xf32, #tpu.memory_space<vmem>>, %arg6: memref<2000x32xf32, #tpu.memory_space<vmem>>) attributes {dimension_semantics = [#tpu.dimension_semantics<arbitrary>], iteration_bounds = array<i64: 5>, scalar_prefetch = 0 : i64, scratch_operands = 0 : i64, tpu.core_type = #tpu.core_type<tc>, window_params = [{transform_indices = @transform_0, window_bounds = array<i64: 2, 2000, 32>}, {transform_indices = @transform_1, window_bounds = array<i64: 2000, 128>}, {transform_indices = @transform_2, window_bounds = array<i64: 2000, 1>}, {pipeline_mode = #tpu.pipeline_mode<synchronous>, transform_indices = @transform_3, window_bounds = array<i64: 1, 32>}, {pipeline_mode = #tpu.pipeline_mode<synchronous>, transform_indices = @transform_4, window_bounds = array<i64: 128, 32>}, {transform_indices = @transform_5, window_bounds = array<i64: 2000, 32>}]} {
    %get3A = arith.constant 0 : index
    %get3A_0 = arith.constant 0 : index
    %get3A_1 = arith.constant 0 : index
    %get3A_2 = vector.load %arg1[%get3A, %get3A_0, %get3A_1] : memref<2x2000x32xf32, #tpu.memory_space<vmem>>, vector<1x2000x32xf32>
    %get3A_3 = vector.shape_cast %get3A_2 : vector<1x2000x32xf32> to vector<2000x32xf32>
    %get3A_4 = arith.constant 1 : index
    %get3A_5 = arith.constant 0 : index
    %get3A_6 = arith.constant 0 : index
    %get3A_7 = vector.load %arg1[%get3A_4, %get3A_5, %get3A_6] : memref<2x2000x32xf32, #tpu.memory_space<vmem>>, vector<1x2000x32xf32>
    %get3A_8 = vector.shape_cast %get3A_7 : vector<1x2000x32xf32> to vector<2000x32xf32>
    %add3A = arith.addf %get3A_3, %get3A_8 : vector<2000x32xf32>
    %get3A_9 = arith.constant 0 : index
    %get3A_10 = arith.constant 0 : index
    %get3A_11 = vector.load %arg3[%get3A_9, %get3A_10] : memref<2000x1xf32, #tpu.memory_space<vmem>>, vector<2000x1xf32>
    %mul3A = vector.broadcast %get3A_11 : vector<2000x1xf32> to vector<2000x32xf32>
    %mul3A_12 = arith.mulf %add3A, %mul3A : vector<2000x32xf32>
    %get3A_13 = arith.constant 0 : index
    %get3A_14 = arith.constant 0 : index
    %get3A_15 = vector.load %arg4[%get3A_13, %get3A_14] : memref<1x32xf32, #tpu.memory_space<vmem>>, vector<1x32xf32>
    %add3A_16 = vector.broadcast %get3A_15 : vector<1x32xf32> to vector<2000x32xf32>
    %add3A_17 = arith.addf %mul3A_12, %add3A_16 : vector<2000x32xf32>
    %get3A_18 = arith.constant 0 : index
    %get3A_19 = arith.constant 0 : index
    %get3A_20 = vector.load %arg2[%get3A_18, %get3A_19] : memref<2000x128xf32, #tpu.memory_space<vmem>>, vector<2000x128xf32>
    %get3A_21 = arith.constant 0 : index
    %get3A_22 = arith.constant 0 : index
    %get3A_23 = vector.load %arg5[%get3A_21, %get3A_22] : memref<128x32xf32, #tpu.memory_space<vmem>>, vector<128x32xf32>
    %dot_general3A = arith.constant dense<0.000000e+00> : vector<2000x32xf32>
    %dot_general3A_24 = tpu.matmul %get3A_20, %get3A_23, %dot_general3A {dimension_numbers = #tpu.dot_dimension_numbers<[1], [0], [0], [1], [0, 0, 1, 1], [], []>, transpose_lhs_hint = false} : vector<2000x128xf32>, vector<128x32xf32>, vector<2000x32xf32> -> vector<2000x32xf32>
    %add3A_25 = arith.addf %add3A_17, %dot_general3A_24 : vector<2000x32xf32>
    %swap3A = arith.constant 0 : index
    %swap3A_26 = arith.constant 0 : index
    %swap3A_27 = vector.load %arg6[%swap3A, %swap3A_26] : memref<2000x32xf32, #tpu.memory_space<vmem>>, vector<2000x32xf32>
    tpu.vector_store %arg6[%swap3A, %swap3A_26], %add3A_25 {strides = array<i32>} : memref<2000x32xf32, #tpu.memory_space<vmem>>, vector<2000x32xf32>,
    return
  }
  func.func @transform_0(%arg0: i32) -> (i32, i32, i32) {
    %c0_i32 = arith.constant 0 : i32
    %c0_i32_0 = arith.constant 0 : i32
    %c0_i32_1 = arith.constant 0 : i32
    return %c0_i32, %arg0, %c0_i32_0 : i32, i32, i32
  }
  func.func @transform_1(%arg0: i32) -> (i32, i32) {
    %c0_i32 = arith.constant 0 : i32
    %c0_i32_0 = arith.constant 0 : i32
    return %arg0, %c0_i32 : i32, i32
  }
  func.func @transform_2(%arg0: i32) -> (i32, i32) {
    %c0_i32 = arith.constant 0 : i32
    %c0_i32_0 = arith.constant 0 : i32
    return %arg0, %c0_i32 : i32, i32
  }
  func.func @transform_3(%arg0: i32) -> (i32, i32) {
    %c0_i32 = arith.constant 0 : i32
    %c0_i32_0 = arith.constant 0 : i32
    %c0_i32_1 = arith.constant 0 : i32
    return %c0_i32, %c0_i32_0 : i32, i32
  }
  func.func @transform_4(%arg0: i32) -> (i32, i32) {
    %c0_i32 = arith.constant 0 : i32
    %c0_i32_0 = arith.constant 0 : i32
    %c0_i32_1 = arith.constant 0 : i32
    return %c0_i32, %c0_i32_0 : i32, i32
  }
  func.func @transform_5(%arg0: i32) -> (i32, i32) {
    %c0_i32 = arith.constant 0 : i32
    %c0_i32_0 = arith.constant 0 : i32
    return %arg0, %c0_i32 : i32, i32
  }
}

</mosaic_0001>

<sc_bundles>
// kernel: kernel.11.cloned.1.call-start
scs
__scs_entry_jumppad:
0x0: {  	(pc) =	sbr.rel $0x88, $3  }
0x1: {  	(tag) =	ssettag $0x0;
	lr =	simm.s32 $0x1  }
0x2: {  	[smem:$0x3F93] =	sst lr;
	_ =	strace $0xD0000000  }
0x3: {  	_ = 	snop  }
0x4: {  	_ = 	snop  }
0x5: {  	_ = 	snop  }
0x6: {  	_ = 	snop  }
0x7: {  	_ = 	snop  }
__scs_overlays_trampoline_lowered:
0x8: {  	[smem:$0x3FA2] =	sst s0  }
0x9: {  	[smem:$0x3FA3] =	sst s1  }
0xa: {  	[smem:$0x3FA4] =	sst s2  }
0xb: {  	[smem:$0x3FA5] =	sst s3  }
0xc: {  	[smem:$0x3FA6] =	sst s4  }
0xd: {  	[smem:$0x3FA7] =	sst s5  }
0xe: {  	[smem:$0x3FA8] =	sst s6  }
0xf: {  	[smem:$0x3FA9] =	sst s7  }
0x10: {  	[smem:$0x3FAA] =	sst s8  }
0x11: {  	[smem:$0x3FAB] =	sst s9;
	s0 =	simm.s32 @!p0 $0x0  }
0x12: {  	s1 =	sld [smem:$0x3F91];
	s0 =	simm.s32 @p0 $0x1  }
0x13: {  	[smem:$0x3FAC] =	sst s0;
	s0 =	simm.s32 @!p1 $0x0  }
0x14: {  	s2 =	sld [smem:$0x3F90];
	s0 =	simm.s32 @p1 $0x1  }
0x15: {  	[smem:$0x3FAD] =	sst s0;
	s0 =	simm.s32 @!p2 $0x0  }
0x16: {  	s3 =	sld [smem:$0x3FDB];
	s0 =	simm.s32 @p2 $0x1  }
0x17: {  	s4 =	simm.s32 $0x1BF5;
	[smem:$0x3FAF] =	sst s0  }
0x18: {  	s0 =	sld [smem:$0x3F92];
	_ =	swait.ge [sflag:s4], $0x0  }
0x19: {  	s7 =	sld [smem:$0x3F93]  }
0x1a: {  	s8 =	sadd.s32 $0xFFFFE003, lr  }
0x1b: {  	s9 =	sadd.s32 $0xFFFFFEF7, lr;
	s5 =	simm.s32 $0xFFFFFFFF;
	p2 =	slt.u32 s8, $0xFFFFF086  }
0x1c: {  	p1 =	slt.u32 s9, $0xF7A;
	s5 =	simm.s32 @!p2 $0x0  }
0x1d: {  	s5 =	simm.s32 @p1 $0x1;
	p0 =	seq.s32 s7, s2  }
0x1e: {  	s7 =	smul.u32 @!p0 $0xF7A, s2;
	p2 =	seq.s32 @!p0 s5, $0x0  }
0x1f: {  	s9 =	smul.u32 $0xF7A, s1;
	s8 =	simm.s32 @!p0 $0x1BF5;
	p2 =	por !p2, p0  }
0x20: {  	[sflag:s8] =	ssyncset.s32 @!p0 $0xFFFFF086;
	s6 =	sadd.s32 @!p0 s3, s7;
	s7 =	simm.s32 @!p0 $0x108  }
0x21: {  	s3 =	sadd.s32 s3, s9;
	s6 =	sadd.s32 @!p0 $0x88, s6;
	s7 =	simm.s32 @p2 $0x1082  }
0x22: {  	[simem:s7], [sflag:s8] =	dma.local @!p0 [hbm:s6], $0xF7A  }
0x23: {  	s9 =	sor.u32 $0xD0000000, s2;
	s6 =	simm.s32 $0x108;
	_ =	swait.ge @!p0 [sflag:s8], $0x0  }
0x24: {  	s3 =	sadd.s32 $0x88, s3;
	s6 =	simm.s32 @!p1 $0x1082;
	[sflag:s4] =	ssyncset.s32 $0xFFFFF086  }
0x25: {  	[simem:s6], [sflag:s4] =	dma.local [hbm:s3], $0xF7A  }
0x26: {  	[smem:$0x3F93] =	sst s1;
	(tag) =	ssettag s2;
	_ =	strace s9  }
0x27: {  	s1 =	sld [smem:$0x3FA3]  }
0x28: {  	s2 =	sld [smem:$0x3FA4]  }
0x29: {  	s4 =	sld [smem:$0x3FA6]  }
0x2a: {  	p0 =	seq.s32 s5, $0x0;
	s5 =	sld [smem:$0x3FA7]  }
0x2b: {  	s6 =	sld [smem:$0x3FA8]  }
0x2c: {  	s7 =	sld [smem:$0x3FA9]  }
0x2d: {  	s3 =	simm.s32 $0x108;
	s8 =	sld [smem:$0x3FAA]  }
0x2e: {  	s3 =	simm.s32 @!p0 $0x1082;
	s9 =	sld [smem:$0x3FAB]  }
0x2f: {  	lr =	sadd.s32 s0, s3;
	s0 =	sld [smem:$0x3FA2]  }
0x30: {  	s3 =	sld [smem:$0x3FA5]  }
0x31: {  	[smem:$0x3FAE] =	sst s10  }
0x32: {  	s10 =	sld [smem:$0x3FAC];
	_ =	sdelay $0x3  }
0x33: {  	p0 =	seq.s32 s10, $0x1;
	s10 =	sld [smem:$0x3FAE];
	_ =	sdelay $0x3  }
0x34: {  	[smem:$0x3FAE] =	sst s10  }
0x35: {  	s10 =	sld [smem:$0x3FAD];
	_ =	sdelay $0x3  }
0x36: {  	p1 =	seq.s32 s10, $0x1;
	s10 =	sld [smem:$0x3FAE];
	_ =	sdelay $0x3  }
0x37: {  	[smem:$0x3FAE] =	sst s10  }
0x38: {  	s10 =	sld [smem:$0x3FAF]  }
0x39: {  	_ = 	snop;
	(pc) =	sbr.ind lr, $3  }
0x3a: {  	_ = 	snop  }
0x3b: {  	_ = 	snop  }
0x3c: {  	p2 =	seq.s32 s10, $0x1;
	s10 =	sld [smem:$0x3FAE]  }
0x3d: {  	_ =	shalt  }
0x3e: {  	_ =	shalt  }
0x3f: {  	_ =	shalt  }
0x40: {  	_ =	shalt  }
0x41: {  	_ =	shalt  }
0x42: {  	_ =	shalt  }
0x43: {  	_ =	shalt  }
0x44: {  	_ =	shalt  }
0x45: {  	_ =	shalt  }
0x46: {  	_ =	shalt  }
0x47: {  	_ =	shalt  }
0x48: {  	_ =	shalt  }
0x49: {  	_ =	shalt  }
0x4a: {  	_ =	shalt  }
0x4b: {  	_ =	shalt  }
0x4c: {  	_ =	shalt  }
0x4d: {  	_ =	shalt  }
0x4e: {  	_ =	shalt  }
0x4f: {  	_ =	shalt  }
0x50: {  	_ =	shalt  }
0x51: {  	_ =	shalt  }
0x52: {  	_ =	shalt  }
0x53: {  	_ =	shalt  }
0x54: {  	_ =	shalt  }
0x55: {  	_ =	shalt  }
0x56: {  	_ =	shalt  }
0x57: {  	_ =	shalt  }
0x58: {  	_ =	shalt  }
0x59: {  	_ =	shalt  }
0x5a: {  	_ =	shalt  }
0x5b: {  	_ =	shalt  }
0x5c: {  	_ =	shalt  }
0x5d: {  	_ =	shalt  }
0x5e: {  	_ =	shalt  }
0x5f: {  	_ =	shalt  }
0x60: {  	_ =	shalt  }
0x61: {  	_ =	shalt  }
0x62: {  	_ =	shalt  }
0x63: {  	_ =	shalt  }
0x64: {  	_ =	shalt  }
0x65: {  	_ =	shalt  }
0x66: {  	_ =	shalt  }
0x67: {  	_ =	shalt  }
0x68: {  	_ =	shalt  }
0x69: {  	_ =	shalt  }
0x6a: {  	_ =	shalt  }
0x6b: {  	_ =	shalt  }
0x6c: {  	_ =	shalt  }
0x6d: {  	_ =	shalt  }
0x6e: {  	_ =	shalt  }
0x6f: {  	_ =	shalt  }
0x70: {  	_ =	shalt  }
0x71: {  	_ =	shalt  }
0x72: {  	_ =	shalt  }
0x73: {  	_ =	shalt  }
0x74: {  	_ =	shalt  }
0x75: {  	_ =	shalt  }
0x76: {  	_ =	shalt  }
0x77: {  	_ =	shalt  }
0x78: {  	_ =	shalt  }
0x79: {  	_ =	shalt  }
0x7a: {  	_ =	shalt  }
0x7b: {  	_ =	shalt  }
0x7c: {  	_ =	shalt  }
0x7d: {  	_ =	shalt  }
0x7e: {  	_ =	shalt  }
0x7f: {  	_ =	shalt  }
0x80: {  	_ =	shalt  }
0x81: {  	_ =	shalt  }
0x82: {  	_ =	shalt  }
0x83: {  	_ =	shalt  }
0x84: {  	_ =	shalt  }
0x85: {  	_ =	shalt  }
0x86: {  	_ =	shalt  }
0x87: {  	_ =	shalt  }
.Lfunc_end0:
.L_simem_size_0:
called_computation.1_lowered:
.L_overlay_start_0:
0x88: {  	s2 =	sld [smem:$0x3FD9]  }
0x89: {  	s3 =	sld [smem:$0x3FFE];
	_ =	sdelay $0x1  }
0x8a: {  	s1 =	srdreg.scid  }
0x8b: {  	s0 =	sand.u32 $0x1, s1  }
0x8c: {  	s16 =	sshll.u32 s0, $0xA;
	s2 =	sadd.s32 s3, s2  }
0x8d: {  	s2 =	sadd.s32 s2, s16  }
0x8e: {  	[smem:$0x3FBA] =	sst s2  }
0x8f: {  	_ = 	snop  }
0x90: {  	(tm) =	ssettm $0x1  }
0x91: {  	s17 =	sld [smem:$0x3FFB];
	_ =	sdelay $0x3  }
0x92: {  	_ =	strace s17  }
0x93: {  	s2 =	sld [smem:$0x3FFC];
	_ =	sdelay $0x3  }
0x94: {  	_ =	strace s2  }
0x95: {  	s2 =	sld [smem:$0x3FFD];
	_ =	sdelay $0x3  }
0x96: {  	_ =	strace s2  }
0x97: {  	_ =	strace $0x8FFFFFFF  }
0x98: {  	s18 =	sld [smem:$0x3FDB];
	_ =	sdelay $0x1  }
0x99: {  	s19 =	simm.s32 $_scs_section_size  }
0x9a: {  	s4 =	simm.s32 $_size__tile_overlayer_lowered;
	s5 =	simm.s32 $_tile_overlayer_lowered  }
0x9b: {  	s22 =	simm.s32 $0x1BFF;
	s21 =	sshll.u32 s5, $0x1;
	s2 =	sadd.s32 s19, s18  }
0x9c: {  	s6 =	simm.s32 $0x0;
	s20 =	sshll.u32 s4, $0x1;
	s4 =	sadd.s32 s21, s2  }
0x9d: {  	[timem:s6], [sflag:s22] =	dma.local [hbm:s4], s20  }
0x9e: {  	_ =	swait.ge [sflag:s22], s20  }
0x9f: {  	s3 =	ssub.s32 $0x0, s20;
	[sflag:s22] =	ssyncset.done $0x0  }
0xa0: {  	[sflag:s22] =	ssyncadd.s32 s3;
	_ =	sdelay $0x1  }
0xa1: {  	s23 =	simm.s32 $0x1B8B  }
0xa2: {  	_ =	swait.ge [sflag:s23], $0x1  }
0xa3: {  	[sflag:s23] =	ssyncset.done $0x0  }
0xa4: {  	s25 =	simm.s32 $0x1B8E;
	s24 =	sld [smem:$0x3FFE];
	[sflag:s23] =	ssyncadd.s32 $0xFFFFFFFF  }
0xa5: {  	s26 =	simm.s32 $execute0_lowered;
	[smem:$0x3FD2] =	sst s25  }
0xa6: {  	s4 =	sshll.u32 s26, $0x1;
	_ =	strace $0x80000049;
	[dreg:$0x1] =	wrdreg $0xFFFFFFFF  }
0xa7: {  	s28 =	simm.s32 $_size_execute0_lowered;
	s2 =	sadd.s32 s2, s4;
	[dreg:$0x0] =	wrdreg $0x0  }
0xa8: {  	s4 =	sshll.u32 s28, $0x1;
	[dreg:$0x2] =	wrdreg s2  }
0xa9: {  	[dreg:$0x3] =	wrdreg s4  }
0xaa: {  	[dreg:$0x4] =	wrdreg $0xC0  }
0xab: {  	_ =	task [dreg:s6], $0x5FFFF  }
0xac: {  	[dreg:$0x1] =	wrdreg $0xFFFFFFFF  }
0xad: {  	[dreg:$0x0] =	wrdreg $0x60  }
0xae: {  	[dreg:$0x2] =	wrdreg s24  }
0xaf: {  	[dreg:$0x3] =	wrdreg $0x8F000  }
0xb0: {  	[dreg:$0x4] =	wrdreg $0x9  }
0xb1: {  	_ =	task.clear_ibuf [dreg:s6], $0x5FFFF;
	_ =	strace $0x90000049  }
0xb2: {  	s29 =	simm.s32 $0x9;
	_ =	strace $0x8000004B  }
0xb3: {  	_ =	swait.ge [sflag:s29], $0x1  }
0xb4: {  	[sflag:s29] =	ssyncadd.s32 $0xFFFFFFFF  }
0xb5: {  	_ =	strace $0x9000004B  }
0xb6: {  	_ =	sfence  }
0xb7: {  	s30 =	sld [smem:$0x0];
	_ =	sdelay $0x2  }
0xb8: {  	s31 =	sshll.u32 s1, $0xD;
	s1 =	sshrl.u32 s1, $0x2  }
0xb9: {  	s3 =	sand.u32 $0x4000, s31;
	s1 =	sadd.s32 s1, s30  }
0xba: {  	s0 =	sor.u32 s3, s0;
	s1 =	sshll.u32 s1, $0x11  }
0xbb: {  	s0 =	sor.u32 s1, s0  }
0xbc: {  	s0 =	sadd.s32 $0x8F2B, s0  }
0xbd: {  	[sflag:s0] =	ssyncadd.remote.s32 $0x1  }
0xbe: {  	_ =	sfence.sel $0xFFFF  }
0xbf: {  	[dreg:$0x0] =	wrdreg $0xFFFFFFFF;
	(pc) =	sbr.abs _section_cstart, $3  }
0xc0: {  	[dreg:$0x1] =	wrdreg $0xFFFFFFFF  }
0xc1: {  	_ =	task.clear_ibuf [dreg:s6], $0x2FFFF;
	_ =	strace $0x9FFFFFFF  }
0xc2: {  	(tm) =	ssettm $0x7FFFFFFF  }
0xc3: {  	_ =	shalt  }
tec
execute0_lowered:
.L_overlay_start_1:
0x0: {  	(tag) =	ssettag $0x1  }
0x1: {  	s0 =	srdreg.scid;
	s5 =	rddreg [dreg:$0x0]  }
0x2: {  	s2 =	rddreg [dreg:$0x1];
	s1 =	stileid.u32  }
0x3: {  	s3 =	simm.s32 $0x0;
	s15 =	simm.s32 $0x2780;
	s16 =	simm.s32 $0x80  }
0x4: {  	s6 =	sand.u32 $0x1, s0;
	s0 =	rddreg [dreg:$0x2];
	s8 =	smul.u32 $0x50000, s1  }
0x5: {  	s17 =	simm.s32 $0x1;
	[smem:$0x7FF] =	sst s3;
	s12 =	smul.u32 $0x14000, s1  }
0x6: {  	s4 =	sshll.u32 s6, $0x4;
	_ =	strace $0x8000004A;
	s30 =	smul.u32 $0x28000, s6  }
0x7: {  	s6 =	ssub.s32 $0x2, s6;
	s4 =	sor.u32 s1, s4;
	s8 =	sshrl.u32 s8, $0x2  }
0x8: {  	s31 =	sshrl.u32 s6, $0x1;
	s19 =	sshrl.u32 s12, $0x3;
	s7 =	smul.u32 $0x4F0, s4  }
0x9: {  	s4 =	sadd.s32 $0x2600, s5;
	s13 =	sadd.s32 s30, s5;
	s9 =	sadd.s32 s8, s2  }
0xa: {  	s14 =	ssub.s32 s6, s31;
	s6 =	sadd.s32 $0x4000, s9;
	s8 =	sadd.s32 $0xC000, s9  }
0xb: {  	s18 =	sadd.s32 $0x90400, s13;
	s13 =	simm.s32 $0x4F00;
	s11 =	sadd.s32 s7, s5  }
0xc: {  	s5 =	sadd.s32 s12, s2;
	s7 =	sadd.s32 $0x8000, s9;
	s9 =	sadd.s32 $0x10000, s9  }
0xd: {  	s12 =	smax.u32 s14, $0x1;
	s14 =	simm.s32 $0x2;
	s18 =	sadd.s32 s19, s18  }
0xe: {  	v0 =	vimm.f32 $0.0e+00;
	s19 =	simm.s32 $0x0;
	s10 =	sadd.s32 $0x2E600, s11;
	s11 =	sadd.s32 $0x38400, s11  }
.LBB2_1:
0xf: {  	s20 =	sand.u32 $0xFE00, s3  }
0x10: {  	s21 =	sand.u32 $0x70, s3;
	s22 =	sshrl.u32 s20, $0x2  }
0x11: {  	s20 =	simm.s32 $0x40;
	s22 =	sor.u32 s21, s22;
	s21 =	simm.s32 $0x0  }
.LBB2_2:
0x12: {  	p0 =	sne.s32 s20, $0xFFC0  }
0x13: {  	[tilespmem:s22+$0x4F00] =	vst v0;
	s21 =	sadd.s32 $0x10, s21;
	s22 =	smov.u32 s20;
	s20 =	sadd.s32 $0x40, s20  }
.Ltmp0:
0x14: {  	(pc) =	sbr.rel @p0 .LBB2_2-.Ltmp0, $4  }
0x15: {  	_ = 	snop  }
0x16: {  	s22 =	sand.u32 $0xFE00, s22  }
0x17: {  	s23 =	sand.u32 $0x70, s21;
	s22 =	sshrl.u32 s22, $0x2  }
0x18: {  	s22 =	sor.u32 s23, s22  }
0x19: {  	[tilespmem:s22+$0x4F00] =	vst v0  }
0x1a: {  	[spmem:s5] =	stream.linear.scatter [tilespmem:s13], [sflag:$0x2], $0x4000, $0x38;
	[tilespmem:$0x1CF00] =	vst v63  }
0x1b: {  	_ =	swait.ge [sflag:s14], $0x4000  }
0x1c: {  	[sflag:s14] =	ssyncset.done $0x0  }
0x1d: {  	[sflag:s14] =	ssyncadd.s32 $0xFFFFC000  }
0x1e: {  	[spmem:s6] =	stream.linear.scatter [tilespmem:s13], [sflag:$0x2], $0x4000, $0x38;
	[tilespmem:$0x1CF00] =	vst v63  }
0x1f: {  	_ =	swait.ge [sflag:s14], $0x4000  }
0x20: {  	[sflag:s14] =	ssyncset.done $0x0  }
0x21: {  	[sflag:s14] =	ssyncadd.s32 $0xFFFFC000  }
0x22: {  	[spmem:s7] =	stream.linear.scatter [tilespmem:s13], [sflag:$0x2], $0x4000, $0x38;
	[tilespmem:$0x1CF00] =	vst v63  }
0x23: {  	_ =	swait.ge [sflag:s14], $0x4000  }
0x24: {  	[sflag:s14] =	ssyncset.done $0x0  }
0x25: {  	[sflag:s14] =	ssyncadd.s32 $0xFFFFC000  }
0x26: {  	[spmem:s8] =	stream.linear.scatter [tilespmem:s13], [sflag:$0x2], $0x4000, $0x38;
	[tilespmem:$0x1CF00] =	vst v63  }
0x27: {  	_ =	swait.ge [sflag:s14], $0x4000  }
0x28: {  	[sflag:s14] =	ssyncset.done $0x0  }
0x29: {  	[sflag:s14] =	ssyncadd.s32 $0xFFFFC000  }
0x2a: {  	[spmem:s9] =	stream.linear.scatter [tilespmem:s13], [sflag:$0x2], $0x4000, $0x38;
	[tilespmem:$0x1CF00] =	vst v63  }
0x2b: {  	_ =	swait.ge [sflag:s14], $0x4000  }
0x2c: {  	[sflag:s14] =	ssyncset.done $0x0  }
0x2d: {  	s20 =	simm.s32 $0x0;
	[sflag:s14] =	ssyncadd.s32 $0xFFFFC000  }
0x2e: {  	[tilespmem:s20], [sflag:$0x2] =	stream.linear.gather [hbm4b:s10+s20], $0x2780, $0x38;
	[tilespmem:$0x1CF00] =	vst v63  }
0x2f: {  	_ =	swait.ge [sflag:s14], $0x2780  }
0x30: {  	[sflag:s14] =	ssyncset.done $0x0  }
0x31: {  	[sflag:s14] =	ssyncadd.s32 $0xFFFFD880  }
0x32: {  	[tilespmem:s15], [sflag:$0x2] =	stream.linear.gather [hbm4b:s11+s20], $0x2780, $0x38;
	[tilespmem:$0x1CF00] =	vst v63  }
0x33: {  	_ =	swait.ge [sflag:s14], $0x2780  }
0x34: {  	[sflag:s14] =	ssyncset.done $0x0  }
0x35: {  	[sflag:s14] =	ssyncadd.s32 $0xFFFFD880  }
0x36: {  	s30 =	simm.s32 $0x0;
	[bflag:$0x0] =	sbarrier.arrive $0xFFFF  }
0x37: {  	[tilespmem:s13], [sflag:$0x1] =	stream.indirect.gather [hbm4b:s4+s16], $0x80, s30, s16, $0xb8;
	[tilespmem:$0x1CF00] =	vst v63  }
0x38: {  	_ =	swait.ge [sflag:s17], $0x4000  }
0x39: {  	[sflag:s17] =	ssyncset.done $0x0  }
0x3a: {  	s31 =	simm.s32 $0x2780;
	[sflag:s17] =	ssyncadd.s32 $0xFFFFC000  }
0x3b: {  	[spmem:s2] =	stream.indirect.scatter.add.f32 [tilespmem:s13], [sflag:$0x2], $0x80, s31, s16, $0xb8;
	[tilespmem:$0x1CF00] =	vst v63  }
0x3c: {  	_ =	swait.ge [sflag:s14], $0x4000  }
0x3d: {  	s21 =	simm.s32 $0x400;
	s20 =	simm.s32 $0x200;
	[sflag:s14] =	ssyncset.done $0x0  }
.LBB2_4:
0x3e: {  	s22 =	sshra.s32 s20, $0x2  }
0x3f: {  	[sflag:s14] =	ssyncadd.s32 $0xFFFFC000;
	s20 =	smov.u32 s21;
	s23 =	sadd.s32 $0x200, s21  }
0x40: {  	[tilespmem:s13], [sflag:$0x1] =	stream.indirect.gather [hbm4b:s4+s16], $0x80, s22, s16, $0xb8;
	[tilespmem:$0x1CF00] =	vst v63  }
0x41: {  	p0 =	sne.s32 s21, $0x9C00;
	_ =	swait.ge [sflag:s17], $0x4000  }
.Ltmp1:
0x42: {  	[sflag:s17] =	ssyncset.done $0x0;
	(pc) =	sbr.rel @p0 .LBB2_4-.Ltmp1, $4  }
0x43: {  	s21 =	sadd.s32 $0x2780, s22;
	[sflag:s17] =	ssyncadd.s32 $0xFFFFC000  }
0x44: {  	[spmem:s2] =	stream.indirect.scatter.add.f32 [tilespmem:s13], [sflag:$0x2], $0x80, s21, s16, $0xb8;
	[tilespmem:$0x1CF00] =	vst v63  }
0x45: {  	_ =	swait.ge [sflag:s14], $0x4000  }
0x46: {  	s21 =	smov.u32 s23;
	[sflag:s14] =	ssyncset.done $0x0  }
0x47: {  	s20 =	sshra.s32 s20, $0x2;
	[sflag:s14] =	ssyncadd.s32 $0xFFFFC000  }
0x48: {  	[tilespmem:s13], [sflag:$0x1] =	stream.indirect.gather [hbm4b:s4+s16], $0x80, s20, s16, $0xb8;
	[tilespmem:$0x1CF00] =	vst v63  }
0x49: {  	_ =	swait.ge [sflag:s17], $0x4000  }
0x4a: {  	[sflag:s17] =	ssyncset.done $0x0  }
0x4b: {  	s20 =	sadd.s32 $0x2780, s20;
	[sflag:s17] =	ssyncadd.s32 $0xFFFFC000  }
0x4c: {  	[spmem:s2] =	stream.indirect.scatter.add.f32 [tilespmem:s13], [sflag:$0x2], $0x80, s20, s16, $0xb8;
	[tilespmem:$0x1CF00] =	vst v63  }
0x4d: {  	_ =	swait.ge [sflag:s14], $0x4000  }
0x4e: {  	s31 =	sshll.u32 s1, $0x6;
	s19 =	sadd.s32 $0x1, s19;
	[sflag:s14] =	ssyncset.done $0x0  }
0x4f: {  	s21 =	sshrl.u32 s5, $0x3;
	p0 =	sne.s32 s19, s12;
	[sflag:s14] =	ssyncadd.s32 $0xFFFFC000  }
.Ltmp2:
0x50: {  	s20 =	sor.u32 $0x1C02, s31;
	[bflag:$0x0] =	sbarrier.arrive $0xFFFF;
	(pc) =	sbr.rel @p0 .LBB2_1-.Ltmp2, $4  }
0x51: {  	[hbm:s18], [sflag:s20] =	dma.local [spmem:s21], $0x2800  }
0x52: {  	_ =	swait.ge [sflag:s14], $0x2800  }
0x53: {  	[sflag:s14] =	ssyncset.done $0x0  }
0x54: {  	[sflag:s14] =	ssyncadd.s32 $0xFFFFD800  }
0x55: {  	_ =	sfence.sel $0x180000  }
0x56: {  	[bflag:$0x0] =	sbarrier.arrive $0xFFFF  }
0x57: {  	p0 =	sne.s32 s1, $0x0;
	_ =	strace $0x9000004A  }
0x58: {  	s0 =	sadd.s32 @!p0 $0x100000, s0;
	[bflag:$0x2] =	sbarrier.arrive $0xFFFF  }
0x59: {  	[sflag:s0] =	ssyncadd.tile.s32 @!p0 $0x1;
	_ =	shalt  }
.Lfunc_end2:
_tile_overlayer_lowered:
.L_overlay_start_2:
0x5a: {  	(tag) =	ssettag $0x2  }
0x5b: {  	s0 =	rddreg [dreg:$0x0];
	s2 =	stileid.u32  }
0x5c: {  	s1 =	rddreg [dreg:$0x1];
	p0 =	sne.s32 s2, $0x0  }
0x5d: {  	s3 =	rddreg [dreg:$0x2];
	[bflag:$0x3] =	sbarrier.arrive $0xFFFF;
	s2 =	simm.s32 @!p0 $0x1C02  }
0x5e: {  	[timem:s3], [sflag:s2] =	dma.local @!p0 [hbm:s0], s1  }
0x5f: {  	s0 =	simm.s32 @!p0 $0x2  }
0x60: {  	_ =	swait.ge @!p0 [sflag:s0], s1  }
0x61: {  	s1 =	ssub.s32 @!p0 $0x0, s1;
	[sflag:s0] =	ssyncset.done @!p0 $0x0  }
0x62: {  	[sflag:s0] =	ssyncadd.s32 @!p0 s1  }
0x63: {  	[bflag:$0x3] =	sbarrier.arrive $0xFFFF  }
0x64: {  	_ =	shalt  }

// kernel: kernel.14.cloned.1.call-start
scs
__scs_entry_jumppad:
0x0: {  	(pc) =	sbr.rel $0x88, $3  }
0x1: {  	(tag) =	ssettag $0x0;
	lr =	simm.s32 $0x1  }
0x2: {  	[smem:$0x3F93] =	sst lr;
	_ =	strace $0xD0000000  }
0x3: {  	_ = 	snop  }
0x4: {  	_ = 	snop  }
0x5: {  	_ = 	snop  }
0x6: {  	_ = 	snop  }
0x7: {  	_ = 	snop  }
__scs_overlays_trampoline_lowered:
0x8: {  	[smem:$0x3FA2] =	sst s0  }
0x9: {  	[smem:$0x3FA3] =	sst s1  }
0xa: {  	[smem:$0x3FA4] =	sst s2  }
0xb: {  	[smem:$0x3FA5] =	sst s3  }
0xc: {  	[smem:$0x3FA6] =	sst s4  }
0xd: {  	[smem:$0x3FA7] =	sst s5  }
0xe: {  	[smem:$0x3FA8] =	sst s6  }
0xf: {  	[smem:$0x3FA9] =	sst s7  }
0x10: {  	[smem:$0x3FAA] =	sst s8  }
0x11: {  	[smem:$0x3FAB] =	sst s9;
	s0 =	simm.s32 @!p0 $0x0  }
0x12: {  	s1 =	sld [smem:$0x3F91];
	s0 =	simm.s32 @p0 $0x1  }
0x13: {  	[smem:$0x3FAC] =	sst s0;
	s0 =	simm.s32 @!p1 $0x0  }
0x14: {  	s2 =	sld [smem:$0x3F90];
	s0 =	simm.s32 @p1 $0x1  }
0x15: {  	[smem:$0x3FAD] =	sst s0;
	s0 =	simm.s32 @!p2 $0x0  }
0x16: {  	s3 =	sld [smem:$0x3FDB];
	s0 =	simm.s32 @p2 $0x1  }
0x17: {  	s4 =	simm.s32 $0x1BF5;
	[smem:$0x3FAF] =	sst s0  }
0x18: {  	s0 =	sld [smem:$0x3F92];
	_ =	swait.ge [sflag:s4], $0x0  }
0x19: {  	s7 =	sld [smem:$0x3F93]  }
0x1a: {  	s8 =	sadd.s32 $0xFFFFE003, lr  }
0x1b: {  	s9 =	sadd.s32 $0xFFFFFEF7, lr;
	s5 =	simm.s32 $0xFFFFFFFF;
	p2 =	slt.u32 s8, $0xFFFFF086  }
0x1c: {  	p1 =	slt.u32 s9, $0xF7A;
	s5 =	simm.s32 @!p2 $0x0  }
0x1d: {  	s5 =	simm.s32 @p1 $0x1;
	p0 =	seq.s32 s7, s2  }
0x1e: {  	s7 =	smul.u32 @!p0 $0xF7A, s2;
	p2 =	seq.s32 @!p0 s5, $0x0  }
0x1f: {  	s9 =	smul.u32 $0xF7A, s1;
	s8 =	simm.s32 @!p0 $0x1BF5;
	p2 =	por !p2, p0  }
0x20: {  	[sflag:s8] =	ssyncset.s32 @!p0 $0xFFFFF086;
	s6 =	sadd.s32 @!p0 s3, s7;
	s7 =	simm.s32 @!p0 $0x108  }
0x21: {  	s3 =	sadd.s32 s3, s9;
	s6 =	sadd.s32 @!p0 $0x88, s6;
	s7 =	simm.s32 @p2 $0x1082  }
0x22: {  	[simem:s7], [sflag:s8] =	dma.local @!p0 [hbm:s6], $0xF7A  }
0x23: {  	s9 =	sor.u32 $0xD0000000, s2;
	s6 =	simm.s32 $0x108;
	_ =	swait.ge @!p0 [sflag:s8], $0x0  }
0x24: {  	s3 =	sadd.s32 $0x88, s3;
	s6 =	simm.s32 @!p1 $0x1082;
	[sflag:s4] =	ssyncset.s32 $0xFFFFF086  }
0x25: {  	[simem:s6], [sflag:s4] =	dma.local [hbm:s3], $0xF7A  }
0x26: {  	[smem:$0x3F93] =	sst s1;
	(tag) =	ssettag s2;
	_ =	strace s9  }
0x27: {  	s1 =	sld [smem:$0x3FA3]  }
0x28: {  	s2 =	sld [smem:$0x3FA4]  }
0x29: {  	s4 =	sld [smem:$0x3FA6]  }
0x2a: {  	p0 =	seq.s32 s5, $0x0;
	s5 =	sld [smem:$0x3FA7]  }
0x2b: {  	s6 =	sld [smem:$0x3FA8]  }
0x2c: {  	s7 =	sld [smem:$0x3FA9]  }
0x2d: {  	s3 =	simm.s32 $0x108;
	s8 =	sld [smem:$0x3FAA]  }
0x2e: {  	s3 =	simm.s32 @!p0 $0x1082;
	s9 =	sld [smem:$0x3FAB]  }
0x2f: {  	lr =	sadd.s32 s0, s3;
	s0 =	sld [smem:$0x3FA2]  }
0x30: {  	s3 =	sld [smem:$0x3FA5]  }
0x31: {  	[smem:$0x3FAE] =	sst s10  }
0x32: {  	s10 =	sld [smem:$0x3FAC];
	_ =	sdelay $0x3  }
0x33: {  	p0 =	seq.s32 s10, $0x1;
	s10 =	sld [smem:$0x3FAE];
	_ =	sdelay $0x3  }
0x34: {  	[smem:$0x3FAE] =	sst s10  }
0x35: {  	s10 =	sld [smem:$0x3FAD];
	_ =	sdelay $0x3  }
0x36: {  	p1 =	seq.s32 s10, $0x1;
	s10 =	sld [smem:$0x3FAE];
	_ =	sdelay $0x3  }
0x37: {  	[smem:$0x3FAE] =	sst s10  }
0x38: {  	s10 =	sld [smem:$0x3FAF]  }
0x39: {  	_ = 	snop;
	(pc) =	sbr.ind lr, $3  }
0x3a: {  	_ = 	snop  }
0x3b: {  	_ = 	snop  }
0x3c: {  	p2 =	seq.s32 s10, $0x1;
	s10 =	sld [smem:$0x3FAE]  }
0x3d: {  	_ =	shalt  }
0x3e: {  	_ =	shalt  }
0x3f: {  	_ =	shalt  }
0x40: {  	_ =	shalt  }
0x41: {  	_ =	shalt  }
0x42: {  	_ =	shalt  }
0x43: {  	_ =	shalt  }
0x44: {  	_ =	shalt  }
0x45: {  	_ =	shalt  }
0x46: {  	_ =	shalt  }
0x47: {  	_ =	shalt  }
0x48: {  	_ =	shalt  }
0x49: {  	_ =	shalt  }
0x4a: {  	_ =	shalt  }
0x4b: {  	_ =	shalt  }
0x4c: {  	_ =	shalt  }
0x4d: {  	_ =	shalt  }
0x4e: {  	_ =	shalt  }
0x4f: {  	_ =	shalt  }
0x50: {  	_ =	shalt  }
0x51: {  	_ =	shalt  }
0x52: {  	_ =	shalt  }
0x53: {  	_ =	shalt  }
0x54: {  	_ =	shalt  }
0x55: {  	_ =	shalt  }
0x56: {  	_ =	shalt  }
0x57: {  	_ =	shalt  }
0x58: {  	_ =	shalt  }
0x59: {  	_ =	shalt  }
0x5a: {  	_ =	shalt  }
0x5b: {  	_ =	shalt  }
0x5c: {  	_ =	shalt  }
0x5d: {  	_ =	shalt  }
0x5e: {  	_ =	shalt  }
0x5f: {  	_ =	shalt  }
0x60: {  	_ =	shalt  }
0x61: {  	_ =	shalt  }
0x62: {  	_ =	shalt  }
0x63: {  	_ =	shalt  }
0x64: {  	_ =	shalt  }
0x65: {  	_ =	shalt  }
0x66: {  	_ =	shalt  }
0x67: {  	_ =	shalt  }
0x68: {  	_ =	shalt  }
0x69: {  	_ =	shalt  }
0x6a: {  	_ =	shalt  }
0x6b: {  	_ =	shalt  }
0x6c: {  	_ =	shalt  }
0x6d: {  	_ =	shalt  }
0x6e: {  	_ =	shalt  }
0x6f: {  	_ =	shalt  }
0x70: {  	_ =	shalt  }
0x71: {  	_ =	shalt  }
0x72: {  	_ =	shalt  }
0x73: {  	_ =	shalt  }
0x74: {  	_ =	shalt  }
0x75: {  	_ =	shalt  }
0x76: {  	_ =	shalt  }
0x77: {  	_ =	shalt  }
0x78: {  	_ =	shalt  }
0x79: {  	_ =	shalt  }
0x7a: {  	_ =	shalt  }
0x7b: {  	_ =	shalt  }
0x7c: {  	_ =	shalt  }
0x7d: {  	_ =	shalt  }
0x7e: {  	_ =	shalt  }
0x7f: {  	_ =	shalt  }
0x80: {  	_ =	shalt  }
0x81: {  	_ =	shalt  }
0x82: {  	_ =	shalt  }
0x83: {  	_ =	shalt  }
0x84: {  	_ =	shalt  }
0x85: {  	_ =	shalt  }
0x86: {  	_ =	shalt  }
0x87: {  	_ =	shalt  }
.Lfunc_end0:
.L_simem_size_0:
called_computation.2_lowered:
.L_overlay_start_0:
0x88: {  	s2 =	sld [smem:$0x3FD9]  }
0x89: {  	s3 =	sld [smem:$0x3FFE];
	_ =	sdelay $0x1  }
0x8a: {  	s1 =	srdreg.scid  }
0x8b: {  	s0 =	sand.u32 $0x1, s1  }
0x8c: {  	s16 =	sshll.u32 s0, $0xA;
	s2 =	sadd.s32 s3, s2  }
0x8d: {  	s2 =	sadd.s32 s2, s16  }
0x8e: {  	[smem:$0x3FBA] =	sst s2  }
0x8f: {  	_ = 	snop  }
0x90: {  	(tm) =	ssettm $0x1  }
0x91: {  	s17 =	sld [smem:$0x3FFB];
	_ =	sdelay $0x3  }
0x92: {  	_ =	strace s17  }
0x93: {  	s2 =	sld [smem:$0x3FFC];
	_ =	sdelay $0x3  }
0x94: {  	_ =	strace s2  }
0x95: {  	s2 =	sld [smem:$0x3FFD];
	_ =	sdelay $0x3  }
0x96: {  	_ =	strace s2  }
0x97: {  	_ =	strace $0x8FFFFFFF  }
0x98: {  	s18 =	sld [smem:$0x3FDB];
	_ =	sdelay $0x1  }
0x99: {  	s19 =	simm.s32 $_scs_section_size  }
0x9a: {  	s4 =	simm.s32 $_size__tile_overlayer_lowered;
	s5 =	simm.s32 $_tile_overlayer_lowered  }
0x9b: {  	s22 =	simm.s32 $0x1BFF;
	s21 =	sshll.u32 s5, $0x1;
	s2 =	sadd.s32 s19, s18  }
0x9c: {  	s6 =	simm.s32 $0x0;
	s20 =	sshll.u32 s4, $0x1;
	s4 =	sadd.s32 s21, s2  }
0x9d: {  	[timem:s6], [sflag:s22] =	dma.local [hbm:s4], s20  }
0x9e: {  	_ =	swait.ge [sflag:s22], s20  }
0x9f: {  	s3 =	ssub.s32 $0x0, s20;
	[sflag:s22] =	ssyncset.done $0x0  }
0xa0: {  	[sflag:s22] =	ssyncadd.s32 s3;
	_ =	sdelay $0x1  }
0xa1: {  	s23 =	simm.s32 $0x1B8B  }
0xa2: {  	_ =	swait.ge [sflag:s23], $0x1  }
0xa3: {  	[sflag:s23] =	ssyncset.done $0x0  }
0xa4: {  	s25 =	simm.s32 $0x1B8E;
	s24 =	sld [smem:$0x3FFE];
	[sflag:s23] =	ssyncadd.s32 $0xFFFFFFFF  }
0xa5: {  	s26 =	simm.s32 $execute0_lowered;
	[smem:$0x3FD2] =	sst s25  }
0xa6: {  	s4 =	sshll.u32 s26, $0x1;
	_ =	strace $0x8000004C;
	[dreg:$0x1] =	wrdreg $0xFFFFFFFF  }
0xa7: {  	s28 =	simm.s32 $_size_execute0_lowered;
	s2 =	sadd.s32 s2, s4;
	[dreg:$0x0] =	wrdreg $0x0  }
0xa8: {  	s4 =	sshll.u32 s28, $0x1;
	[dreg:$0x2] =	wrdreg s2  }
0xa9: {  	[dreg:$0x3] =	wrdreg s4  }
0xaa: {  	[dreg:$0x4] =	wrdreg $0xC0  }
0xab: {  	_ =	task [dreg:s6], $0x5FFFF  }
0xac: {  	[dreg:$0x1] =	wrdreg $0xFFFFFFFF  }
0xad: {  	[dreg:$0x0] =	wrdreg $0x60  }
0xae: {  	[dreg:$0x2] =	wrdreg s24  }
0xaf: {  	[dreg:$0x3] =	wrdreg $0x5F000  }
0xb0: {  	[dreg:$0x4] =	wrdreg $0x9  }
0xb1: {  	_ =	task.clear_ibuf [dreg:s6], $0x5FFFF;
	_ =	strace $0x9000004C  }
0xb2: {  	s29 =	simm.s32 $0x9;
	_ =	strace $0x8000004E  }
0xb3: {  	_ =	swait.ge [sflag:s29], $0x1  }
0xb4: {  	[sflag:s29] =	ssyncadd.s32 $0xFFFFFFFF  }
0xb5: {  	_ =	strace $0x9000004E  }
0xb6: {  	_ =	sfence  }
0xb7: {  	s30 =	sld [smem:$0x0];
	_ =	sdelay $0x2  }
0xb8: {  	s31 =	sshll.u32 s1, $0xD;
	s1 =	sshrl.u32 s1, $0x2  }
0xb9: {  	s3 =	sand.u32 $0x4000, s31;
	s1 =	sadd.s32 s1, s30  }
0xba: {  	s0 =	sor.u32 s3, s0;
	s1 =	sshll.u32 s1, $0x11  }
0xbb: {  	s0 =	sor.u32 s1, s0  }
0xbc: {  	s0 =	sadd.s32 $0x8F2B, s0  }
0xbd: {  	[sflag:s0] =	ssyncadd.remote.s32 $0x1  }
0xbe: {  	_ =	sfence.sel $0xFFFF  }
0xbf: {  	[dreg:$0x0] =	wrdreg $0xFFFFFFFF;
	(pc) =	sbr.abs _section_cstart, $3  }
0xc0: {  	[dreg:$0x1] =	wrdreg $0xFFFFFFFF  }
0xc1: {  	_ =	task.clear_ibuf [dreg:s6], $0x2FFFF;
	_ =	strace $0x9FFFFFFF  }
0xc2: {  	(tm) =	ssettm $0x7FFFFFFF  }
0xc3: {  	_ =	shalt  }
tec
execute0_lowered:
.L_overlay_start_1:
0x0: {  	(tag) =	ssettag $0x1  }
0x1: {  	s0 =	srdreg.scid;
	s5 =	rddreg [dreg:$0x0]  }
0x2: {  	s2 =	rddreg [dreg:$0x1];
	s1 =	stileid.u32  }
0x3: {  	s3 =	simm.s32 $0x0;
	s15 =	simm.s32 $0x2780;
	s16 =	simm.s32 $0x80  }
0x4: {  	s6 =	sand.u32 $0x1, s0;
	s0 =	rddreg [dreg:$0x2];
	s8 =	smul.u32 $0x14000, s1  }
0x5: {  	s17 =	simm.s32 $0x1;
	[smem:$0x7FF] =	sst s3;
	s12 =	smul.u32 $0x5000, s1  }
0x6: {  	s4 =	sshll.u32 s6, $0x4;
	_ =	strace $0x8000004D;
	s30 =	smul.u32 $0xA000, s6  }
0x7: {  	s6 =	ssub.s32 $0x2, s6;
	s4 =	sor.u32 s1, s4;
	s8 =	sshrl.u32 s8, $0x2  }
0x8: {  	s31 =	sshrl.u32 s6, $0x1;
	s19 =	sshrl.u32 s12, $0x3;
	s7 =	smul.u32 $0x4F0, s4  }
0x9: {  	s4 =	sadd.s32 $0x2600, s5;
	s13 =	sadd.s32 s30, s5;
	s9 =	sadd.s32 s8, s2  }
0xa: {  	s14 =	ssub.s32 s6, s31;
	s6 =	sadd.s32 $0x1000, s9;
	s8 =	sadd.s32 $0x3000, s9  }
0xb: {  	s18 =	sadd.s32 $0xC400, s13;
	s13 =	simm.s32 $0x4F00;
	s11 =	sadd.s32 s7, s5  }
0xc: {  	s5 =	sadd.s32 s12, s2;
	s7 =	sadd.s32 $0x2000, s9;
	s9 =	sadd.s32 $0x4000, s9  }
0xd: {  	s12 =	smax.u32 s14, $0x1;
	s14 =	simm.s32 $0x2;
	s18 =	sadd.s32 s19, s18  }
0xe: {  	v0 =	vimm.f32 $0.0e+00;
	s19 =	simm.s32 $0x0;
	s10 =	sadd.s32 $0x2E600, s11;
	s11 =	sadd.s32 $0x38400, s11  }
.LBB2_1:
0xf: {  	s20 =	sand.u32 $0x3F80, s3  }
0x10: {  	s21 =	sand.u32 $0x10, s3;
	s22 =	sshrl.u32 s20, $0x2  }
0x11: {  	s20 =	simm.s32 $0x40;
	s22 =	sor.u32 s21, s22;
	s21 =	simm.s32 $0x0  }
.LBB2_2:
0x12: {  	p0 =	sne.s32 s20, $0x3FC0  }
0x13: {  	[tilespmem:s22+$0x4F00] =	vst v0;
	s21 =	sadd.s32 $0x10, s21;
	s22 =	smov.u32 s20;
	s20 =	sadd.s32 $0x40, s20  }
.Ltmp0:
0x14: {  	(pc) =	sbr.rel @p0 .LBB2_2-.Ltmp0, $4  }
0x15: {  	_ = 	snop  }
0x16: {  	s22 =	sand.u32 $0x3F80, s22  }
0x17: {  	s23 =	sand.u32 $0x10, s21;
	s22 =	sshrl.u32 s22, $0x2  }
0x18: {  	s22 =	sor.u32 s23, s22  }
0x19: {  	[tilespmem:s22+$0x4F00] =	vst v0  }
0x1a: {  	[spmem:s5] =	stream.linear.scatter [tilespmem:s13], [sflag:$0x2], $0x1000, $0x38;
	[tilespmem:$0xAF00] =	vst v63  }
0x1b: {  	_ =	swait.ge [sflag:s14], $0x1000  }
0x1c: {  	[sflag:s14] =	ssyncset.done $0x0  }
0x1d: {  	[sflag:s14] =	ssyncadd.s32 $0xFFFFF000  }
0x1e: {  	[spmem:s6] =	stream.linear.scatter [tilespmem:s13], [sflag:$0x2], $0x1000, $0x38;
	[tilespmem:$0xAF00] =	vst v63  }
0x1f: {  	_ =	swait.ge [sflag:s14], $0x1000  }
0x20: {  	[sflag:s14] =	ssyncset.done $0x0  }
0x21: {  	[sflag:s14] =	ssyncadd.s32 $0xFFFFF000  }
0x22: {  	[spmem:s7] =	stream.linear.scatter [tilespmem:s13], [sflag:$0x2], $0x1000, $0x38;
	[tilespmem:$0xAF00] =	vst v63  }
0x23: {  	_ =	swait.ge [sflag:s14], $0x1000  }
0x24: {  	[sflag:s14] =	ssyncset.done $0x0  }
0x25: {  	[sflag:s14] =	ssyncadd.s32 $0xFFFFF000  }
0x26: {  	[spmem:s8] =	stream.linear.scatter [tilespmem:s13], [sflag:$0x2], $0x1000, $0x38;
	[tilespmem:$0xAF00] =	vst v63  }
0x27: {  	_ =	swait.ge [sflag:s14], $0x1000  }
0x28: {  	[sflag:s14] =	ssyncset.done $0x0  }
0x29: {  	[sflag:s14] =	ssyncadd.s32 $0xFFFFF000  }
0x2a: {  	[spmem:s9] =	stream.linear.scatter [tilespmem:s13], [sflag:$0x2], $0x1000, $0x38;
	[tilespmem:$0xAF00] =	vst v63  }
0x2b: {  	_ =	swait.ge [sflag:s14], $0x1000  }
0x2c: {  	[sflag:s14] =	ssyncset.done $0x0  }
0x2d: {  	s20 =	simm.s32 $0x0;
	[sflag:s14] =	ssyncadd.s32 $0xFFFFF000  }
0x2e: {  	[tilespmem:s20], [sflag:$0x2] =	stream.linear.gather [hbm4b:s10+s20], $0x2780, $0x38;
	[tilespmem:$0xAF00] =	vst v63  }
0x2f: {  	_ =	swait.ge [sflag:s14], $0x2780  }
0x30: {  	[sflag:s14] =	ssyncset.done $0x0  }
0x31: {  	[sflag:s14] =	ssyncadd.s32 $0xFFFFD880  }
0x32: {  	[tilespmem:s15], [sflag:$0x2] =	stream.linear.gather [hbm4b:s11+s20], $0x2780, $0x38;
	[tilespmem:$0xAF00] =	vst v63  }
0x33: {  	_ =	swait.ge [sflag:s14], $0x2780  }
0x34: {  	[sflag:s14] =	ssyncset.done $0x0  }
0x35: {  	[sflag:s14] =	ssyncadd.s32 $0xFFFFD880  }
0x36: {  	s30 =	simm.s32 $0x0;
	[bflag:$0x0] =	sbarrier.arrive $0xFFFF  }
0x37: {  	[tilespmem:s13], [sflag:$0x1] =	stream.indirect.gather [hbm4b:s4+s16], $0x20, s30, s16, $0xb8;
	[tilespmem:$0xAF00] =	vst v63  }
0x38: {  	_ =	swait.ge [sflag:s17], $0x1000  }
0x39: {  	[sflag:s17] =	ssyncset.done $0x0  }
0x3a: {  	s31 =	simm.s32 $0x2780;
	[sflag:s17] =	ssyncadd.s32 $0xFFFFF000  }
0x3b: {  	[spmem:s2] =	stream.indirect.scatter.add.f32 [tilespmem:s13], [sflag:$0x2], $0x20, s31, s16, $0xb8;
	[tilespmem:$0xAF00] =	vst v63  }
0x3c: {  	_ =	swait.ge [sflag:s14], $0x1000  }
0x3d: {  	s21 =	simm.s32 $0x400;
	s20 =	simm.s32 $0x200;
	[sflag:s14] =	ssyncset.done $0x0  }
.LBB2_4:
0x3e: {  	s22 =	sshra.s32 s20, $0x2  }
0x3f: {  	[sflag:s14] =	ssyncadd.s32 $0xFFFFF000;
	s20 =	smov.u32 s21;
	s23 =	sadd.s32 $0x200, s21  }
0x40: {  	[tilespmem:s13], [sflag:$0x1] =	stream.indirect.gather [hbm4b:s4+s16], $0x20, s22, s16, $0xb8;
	[tilespmem:$0xAF00] =	vst v63  }
0x41: {  	p0 =	sne.s32 s21, $0x9C00;
	_ =	swait.ge [sflag:s17], $0x1000  }
.Ltmp1:
0x42: {  	[sflag:s17] =	ssyncset.done $0x0;
	(pc) =	sbr.rel @p0 .LBB2_4-.Ltmp1, $4  }
0x43: {  	s21 =	sadd.s32 $0x2780, s22;
	[sflag:s17] =	ssyncadd.s32 $0xFFFFF000  }
0x44: {  	[spmem:s2] =	stream.indirect.scatter.add.f32 [tilespmem:s13], [sflag:$0x2], $0x20, s21, s16, $0xb8;
	[tilespmem:$0xAF00] =	vst v63  }
0x45: {  	_ =	swait.ge [sflag:s14], $0x1000  }
0x46: {  	s21 =	smov.u32 s23;
	[sflag:s14] =	ssyncset.done $0x0  }
0x47: {  	s20 =	sshra.s32 s20, $0x2;
	[sflag:s14] =	ssyncadd.s32 $0xFFFFF000  }
0x48: {  	[tilespmem:s13], [sflag:$0x1] =	stream.indirect.gather [hbm4b:s4+s16], $0x20, s20, s16, $0xb8;
	[tilespmem:$0xAF00] =	vst v63  }
0x49: {  	_ =	swait.ge [sflag:s17], $0x1000  }
0x4a: {  	[sflag:s17] =	ssyncset.done $0x0  }
0x4b: {  	s20 =	sadd.s32 $0x2780, s20;
	[sflag:s17] =	ssyncadd.s32 $0xFFFFF000  }
0x4c: {  	[spmem:s2] =	stream.indirect.scatter.add.f32 [tilespmem:s13], [sflag:$0x2], $0x20, s20, s16, $0xb8;
	[tilespmem:$0xAF00] =	vst v63  }
0x4d: {  	_ =	swait.ge [sflag:s14], $0x1000  }
0x4e: {  	s31 =	sshll.u32 s1, $0x6;
	s19 =	sadd.s32 $0x1, s19;
	[sflag:s14] =	ssyncset.done $0x0  }
0x4f: {  	s21 =	sshrl.u32 s5, $0x3;
	p0 =	sne.s32 s19, s12;
	[sflag:s14] =	ssyncadd.s32 $0xFFFFF000  }
.Ltmp2:
0x50: {  	s20 =	sor.u32 $0x1C02, s31;
	[bflag:$0x0] =	sbarrier.arrive $0xFFFF;
	(pc) =	sbr.rel @p0 .LBB2_1-.Ltmp2, $4  }
0x51: {  	[hbm:s18], [sflag:s20] =	dma.local [spmem:s21], $0xA00  }
0x52: {  	_ =	swait.ge [sflag:s14], $0xA00  }
0x53: {  	[sflag:s14] =	ssyncset.done $0x0  }
0x54: {  	[sflag:s14] =	ssyncadd.s32 $0xFFFFF600  }
0x55: {  	_ =	sfence.sel $0x180000  }
0x56: {  	[bflag:$0x0] =	sbarrier.arrive $0xFFFF  }
0x57: {  	p0 =	sne.s32 s1, $0x0;
	_ =	strace $0x9000004D  }
0x58: {  	s0 =	sadd.s32 @!p0 $0x100000, s0;
	[bflag:$0x2] =	sbarrier.arrive $0xFFFF  }
0x59: {  	[sflag:s0] =	ssyncadd.tile.s32 @!p0 $0x1;
	_ =	shalt  }
.Lfunc_end2:
_tile_overlayer_lowered:
.L_overlay_start_2:
0x5a: {  	(tag) =	ssettag $0x2  }
0x5b: {  	s0 =	rddreg [dreg:$0x0];
	s2 =	stileid.u32  }
0x5c: {  	s1 =	rddreg [dreg:$0x1];
	p0 =	sne.s32 s2, $0x0  }
0x5d: {  	s3 =	rddreg [dreg:$0x2];
	[bflag:$0x3] =	sbarrier.arrive $0xFFFF;
	s2 =	simm.s32 @!p0 $0x1C02  }
0x5e: {  	[timem:s3], [sflag:s2] =	dma.local @!p0 [hbm:s0], s1  }
0x5f: {  	s0 =	simm.s32 @!p0 $0x2  }
0x60: {  	_ =	swait.ge @!p0 [sflag:s0], s1  }
0x61: {  	s1 =	ssub.s32 @!p0 $0x0, s1;
	[sflag:s0] =	ssyncset.done @!p0 $0x0  }
0x62: {  	[sflag:s0] =	ssyncadd.s32 @!p0 s1  }
0x63: {  	[bflag:$0x3] =	sbarrier.arrive $0xFFFF  }
0x64: {  	_ =	shalt  }

// kernel: kernel.8.cloned.1.call-start
scs
__scs_entry_jumppad:
0x0: {  	(pc) =	sbr.rel $0x88, $3  }
0x1: {  	(tag) =	ssettag $0x0;
	lr =	simm.s32 $0x1  }
0x2: {  	[smem:$0x3F93] =	sst lr;
	_ =	strace $0xD0000000  }
0x3: {  	_ = 	snop  }
0x4: {  	_ = 	snop  }
0x5: {  	_ = 	snop  }
0x6: {  	_ = 	snop  }
0x7: {  	_ = 	snop  }
__scs_overlays_trampoline_lowered:
0x8: {  	[smem:$0x3FA2] =	sst s0  }
0x9: {  	[smem:$0x3FA3] =	sst s1  }
0xa: {  	[smem:$0x3FA4] =	sst s2  }
0xb: {  	[smem:$0x3FA5] =	sst s3  }
0xc: {  	[smem:$0x3FA6] =	sst s4  }
0xd: {  	[smem:$0x3FA7] =	sst s5  }
0xe: {  	[smem:$0x3FA8] =	sst s6  }
0xf: {  	[smem:$0x3FA9] =	sst s7  }
0x10: {  	[smem:$0x3FAA] =	sst s8  }
0x11: {  	[smem:$0x3FAB] =	sst s9;
	s0 =	simm.s32 @!p0 $0x0  }
0x12: {  	s1 =	sld [smem:$0x3F91];
	s0 =	simm.s32 @p0 $0x1  }
0x13: {  	[smem:$0x3FAC] =	sst s0;
	s0 =	simm.s32 @!p1 $0x0  }
0x14: {  	s2 =	sld [smem:$0x3F90];
	s0 =	simm.s32 @p1 $0x1  }
0x15: {  	[smem:$0x3FAD] =	sst s0;
	s0 =	simm.s32 @!p2 $0x0  }
0x16: {  	s3 =	sld [smem:$0x3FDB];
	s0 =	simm.s32 @p2 $0x1  }
0x17: {  	s4 =	simm.s32 $0x1BF5;
	[smem:$0x3FAF] =	sst s0  }
0x18: {  	s0 =	sld [smem:$0x3F92];
	_ =	swait.ge [sflag:s4], $0x0  }
0x19: {  	s7 =	sld [smem:$0x3F93]  }
0x1a: {  	s8 =	sadd.s32 $0xFFFFE003, lr  }
0x1b: {  	s9 =	sadd.s32 $0xFFFFFEF7, lr;
	s5 =	simm.s32 $0xFFFFFFFF;
	p2 =	slt.u32 s8, $0xFFFFF086  }
0x1c: {  	p1 =	slt.u32 s9, $0xF7A;
	s5 =	simm.s32 @!p2 $0x0  }
0x1d: {  	s5 =	simm.s32 @p1 $0x1;
	p0 =	seq.s32 s7, s2  }
0x1e: {  	s7 =	smul.u32 @!p0 $0xF7A, s2;
	p2 =	seq.s32 @!p0 s5, $0x0  }
0x1f: {  	s9 =	smul.u32 $0xF7A, s1;
	s8 =	simm.s32 @!p0 $0x1BF5;
	p2 =	por !p2, p0  }
0x20: {  	[sflag:s8] =	ssyncset.s32 @!p0 $0xFFFFF086;
	s6 =	sadd.s32 @!p0 s3, s7;
	s7 =	simm.s32 @!p0 $0x108  }
0x21: {  	s3 =	sadd.s32 s3, s9;
	s6 =	sadd.s32 @!p0 $0x88, s6;
	s7 =	simm.s32 @p2 $0x1082  }
0x22: {  	[simem:s7], [sflag:s8] =	dma.local @!p0 [hbm:s6], $0xF7A  }
0x23: {  	s9 =	sor.u32 $0xD0000000, s2;
	s6 =	simm.s32 $0x108;
	_ =	swait.ge @!p0 [sflag:s8], $0x0  }
0x24: {  	s3 =	sadd.s32 $0x88, s3;
	s6 =	simm.s32 @!p1 $0x1082;
	[sflag:s4] =	ssyncset.s32 $0xFFFFF086  }
0x25: {  	[simem:s6], [sflag:s4] =	dma.local [hbm:s3], $0xF7A  }
0x26: {  	[smem:$0x3F93] =	sst s1;
	(tag) =	ssettag s2;
	_ =	strace s9  }
0x27: {  	s1 =	sld [smem:$0x3FA3]  }
0x28: {  	s2 =	sld [smem:$0x3FA4]  }
0x29: {  	s4 =	sld [smem:$0x3FA6]  }
0x2a: {  	p0 =	seq.s32 s5, $0x0;
	s5 =	sld [smem:$0x3FA7]  }
0x2b: {  	s6 =	sld [smem:$0x3FA8]  }
0x2c: {  	s7 =	sld [smem:$0x3FA9]  }
0x2d: {  	s3 =	simm.s32 $0x108;
	s8 =	sld [smem:$0x3FAA]  }
0x2e: {  	s3 =	simm.s32 @!p0 $0x1082;
	s9 =	sld [smem:$0x3FAB]  }
0x2f: {  	lr =	sadd.s32 s0, s3;
	s0 =	sld [smem:$0x3FA2]  }
0x30: {  	s3 =	sld [smem:$0x3FA5]  }
0x31: {  	[smem:$0x3FAE] =	sst s10  }
0x32: {  	s10 =	sld [smem:$0x3FAC];
	_ =	sdelay $0x3  }
0x33: {  	p0 =	seq.s32 s10, $0x1;
	s10 =	sld [smem:$0x3FAE];
	_ =	sdelay $0x3  }
0x34: {  	[smem:$0x3FAE] =	sst s10  }
0x35: {  	s10 =	sld [smem:$0x3FAD];
	_ =	sdelay $0x3  }
0x36: {  	p1 =	seq.s32 s10, $0x1;
	s10 =	sld [smem:$0x3FAE];
	_ =	sdelay $0x3  }
0x37: {  	[smem:$0x3FAE] =	sst s10  }
0x38: {  	s10 =	sld [smem:$0x3FAF]  }
0x39: {  	_ = 	snop;
	(pc) =	sbr.ind lr, $3  }
0x3a: {  	_ = 	snop  }
0x3b: {  	_ = 	snop  }
0x3c: {  	p2 =	seq.s32 s10, $0x1;
	s10 =	sld [smem:$0x3FAE]  }
0x3d: {  	_ =	shalt  }
0x3e: {  	_ =	shalt  }
0x3f: {  	_ =	shalt  }
0x40: {  	_ =	shalt  }
0x41: {  	_ =	shalt  }
0x42: {  	_ =	shalt  }
0x43: {  	_ =	shalt  }
0x44: {  	_ =	shalt  }
0x45: {  	_ =	shalt  }
0x46: {  	_ =	shalt  }
0x47: {  	_ =	shalt  }
0x48: {  	_ =	shalt  }
0x49: {  	_ =	shalt  }
0x4a: {  	_ =	shalt  }
0x4b: {  	_ =	shalt  }
0x4c: {  	_ =	shalt  }
0x4d: {  	_ =	shalt  }
0x4e: {  	_ =	shalt  }
0x4f: {  	_ =	shalt  }
0x50: {  	_ =	shalt  }
0x51: {  	_ =	shalt  }
0x52: {  	_ =	shalt  }
0x53: {  	_ =	shalt  }
0x54: {  	_ =	shalt  }
0x55: {  	_ =	shalt  }
0x56: {  	_ =	shalt  }
0x57: {  	_ =	shalt  }
0x58: {  	_ =	shalt  }
0x59: {  	_ =	shalt  }
0x5a: {  	_ =	shalt  }
0x5b: {  	_ =	shalt  }
0x5c: {  	_ =	shalt  }
0x5d: {  	_ =	shalt  }
0x5e: {  	_ =	shalt  }
0x5f: {  	_ =	shalt  }
0x60: {  	_ =	shalt  }
0x61: {  	_ =	shalt  }
0x62: {  	_ =	shalt  }
0x63: {  	_ =	shalt  }
0x64: {  	_ =	shalt  }
0x65: {  	_ =	shalt  }
0x66: {  	_ =	shalt  }
0x67: {  	_ =	shalt  }
0x68: {  	_ =	shalt  }
0x69: {  	_ =	shalt  }
0x6a: {  	_ =	shalt  }
0x6b: {  	_ =	shalt  }
0x6c: {  	_ =	shalt  }
0x6d: {  	_ =	shalt  }
0x6e: {  	_ =	shalt  }
0x6f: {  	_ =	shalt  }
0x70: {  	_ =	shalt  }
0x71: {  	_ =	shalt  }
0x72: {  	_ =	shalt  }
0x73: {  	_ =	shalt  }
0x74: {  	_ =	shalt  }
0x75: {  	_ =	shalt  }
0x76: {  	_ =	shalt  }
0x77: {  	_ =	shalt  }
0x78: {  	_ =	shalt  }
0x79: {  	_ =	shalt  }
0x7a: {  	_ =	shalt  }
0x7b: {  	_ =	shalt  }
0x7c: {  	_ =	shalt  }
0x7d: {  	_ =	shalt  }
0x7e: {  	_ =	shalt  }
0x7f: {  	_ =	shalt  }
0x80: {  	_ =	shalt  }
0x81: {  	_ =	shalt  }
0x82: {  	_ =	shalt  }
0x83: {  	_ =	shalt  }
0x84: {  	_ =	shalt  }
0x85: {  	_ =	shalt  }
0x86: {  	_ =	shalt  }
0x87: {  	_ =	shalt  }
.Lfunc_end0:
.L_simem_size_0:
called_computation_lowered:
.L_overlay_start_0:
0x88: {  	s2 =	sld [smem:$0x3FD9]  }
0x89: {  	s3 =	sld [smem:$0x3FFE];
	_ =	sdelay $0x1  }
0x8a: {  	s1 =	srdreg.scid  }
0x8b: {  	s0 =	sand.u32 $0x1, s1  }
0x8c: {  	s16 =	sshll.u32 s0, $0xA;
	s2 =	sadd.s32 s3, s2  }
0x8d: {  	s2 =	sadd.s32 s2, s16  }
0x8e: {  	[smem:$0x3FBA] =	sst s2  }
0x8f: {  	_ = 	snop  }
0x90: {  	(tm) =	ssettm $0x1  }
0x91: {  	s17 =	sld [smem:$0x3FFB];
	_ =	sdelay $0x3  }
0x92: {  	_ =	strace s17  }
0x93: {  	s2 =	sld [smem:$0x3FFC];
	_ =	sdelay $0x3  }
0x94: {  	_ =	strace s2  }
0x95: {  	s2 =	sld [smem:$0x3FFD];
	_ =	sdelay $0x3  }
0x96: {  	_ =	strace s2  }
0x97: {  	_ =	strace $0x8FFFFFFF  }
0x98: {  	s18 =	sld [smem:$0x3FDB];
	_ =	sdelay $0x1  }
0x99: {  	s19 =	simm.s32 $_scs_section_size  }
0x9a: {  	s4 =	simm.s32 $_size__tile_overlayer_lowered;
	s5 =	simm.s32 $_tile_overlayer_lowered  }
0x9b: {  	s22 =	simm.s32 $0x1BFF;
	s21 =	sshll.u32 s5, $0x1;
	s2 =	sadd.s32 s19, s18  }
0x9c: {  	s6 =	simm.s32 $0x0;
	s20 =	sshll.u32 s4, $0x1;
	s4 =	sadd.s32 s21, s2  }
0x9d: {  	[timem:s6], [sflag:s22] =	dma.local [hbm:s4], s20  }
0x9e: {  	_ =	swait.ge [sflag:s22], s20  }
0x9f: {  	s3 =	ssub.s32 $0x0, s20;
	[sflag:s22] =	ssyncset.done $0x0  }
0xa0: {  	[sflag:s22] =	ssyncadd.s32 s3;
	_ =	sdelay $0x1  }
0xa1: {  	s23 =	simm.s32 $0x1B8B  }
0xa2: {  	_ =	swait.ge [sflag:s23], $0x1  }
0xa3: {  	[sflag:s23] =	ssyncset.done $0x0  }
0xa4: {  	s25 =	simm.s32 $0x1B8E;
	s24 =	sld [smem:$0x3FFE];
	[sflag:s23] =	ssyncadd.s32 $0xFFFFFFFF  }
0xa5: {  	s26 =	simm.s32 $execute0_lowered;
	[smem:$0x3FD2] =	sst s25  }
0xa6: {  	s4 =	sshll.u32 s26, $0x1;
	_ =	strace $0x80000046;
	[dreg:$0x1] =	wrdreg $0xFFFFFFFF  }
0xa7: {  	s28 =	simm.s32 $_size_execute0_lowered;
	s2 =	sadd.s32 s2, s4;
	[dreg:$0x0] =	wrdreg $0x0  }
0xa8: {  	s4 =	sshll.u32 s28, $0x1;
	[dreg:$0x2] =	wrdreg s2  }
0xa9: {  	[dreg:$0x3] =	wrdreg s4  }
0xaa: {  	[dreg:$0x4] =	wrdreg $0xC0  }
0xab: {  	_ =	task [dreg:s6], $0x5FFFF  }
0xac: {  	[dreg:$0x1] =	wrdreg $0xFFFFFFFF  }
0xad: {  	[dreg:$0x0] =	wrdreg $0x60  }
0xae: {  	[dreg:$0x2] =	wrdreg s24  }
0xaf: {  	[dreg:$0x3] =	wrdreg $0x97000  }
0xb0: {  	[dreg:$0x4] =	wrdreg $0x9  }
0xb1: {  	_ =	task.clear_ibuf [dreg:s6], $0x5FFFF;
	_ =	strace $0x90000046  }
0xb2: {  	s29 =	simm.s32 $0x9;
	_ =	strace $0x80000048  }
0xb3: {  	_ =	swait.ge [sflag:s29], $0x1  }
0xb4: {  	[sflag:s29] =	ssyncadd.s32 $0xFFFFFFFF  }
0xb5: {  	_ =	strace $0x90000048  }
0xb6: {  	_ =	sfence  }
0xb7: {  	s30 =	sld [smem:$0x0];
	_ =	sdelay $0x2  }
0xb8: {  	s31 =	sshll.u32 s1, $0xD;
	s1 =	sshrl.u32 s1, $0x2  }
0xb9: {  	s3 =	sand.u32 $0x4000, s31;
	s1 =	sadd.s32 s1, s30  }
0xba: {  	s0 =	sor.u32 s3, s0;
	s1 =	sshll.u32 s1, $0x11  }
0xbb: {  	s0 =	sor.u32 s1, s0  }
0xbc: {  	s0 =	sadd.s32 $0x8F2B, s0  }
0xbd: {  	[sflag:s0] =	ssyncadd.remote.s32 $0x1  }
0xbe: {  	_ =	sfence.sel $0xFFFF  }
0xbf: {  	[dreg:$0x0] =	wrdreg $0xFFFFFFFF;
	(pc) =	sbr.abs _section_cstart, $3  }
0xc0: {  	[dreg:$0x1] =	wrdreg $0xFFFFFFFF  }
0xc1: {  	_ =	task.clear_ibuf [dreg:s6], $0x2FFFF;
	_ =	strace $0x9FFFFFFF  }
0xc2: {  	(tm) =	ssettm $0x7FFFFFFF  }
0xc3: {  	_ =	shalt  }
tec
execute0_lowered:
.L_overlay_start_1:
0x0: {  	(tag) =	ssettag $0x1  }
0x1: {  	s6 =	rddreg [dreg:$0x0]  }
0x2: {  	s0 =	srdreg.scid;
	s2 =	rddreg [dreg:$0x1]  }
0x3: {  	s3 =	simm.s32 $0x0;
	s15 =	simm.s32 $0x2780;
	s5 =	sand.u32 $0x1, s0  }
0x4: {  	s16 =	simm.s32 $0x80;
	s0 =	stileid.u32;
	s8 =	smul.u32 $0x2D000, s5  }
0x5: {  	s17 =	simm.s32 $0x1;
	[smem:$0x7FF] =	sst s3;
	s9 =	smul.u32 $0x5A000, s0  }
0x6: {  	s1 =	sshll.u32 s5, $0x4;
	s5 =	ssub.s32 $0x2, s5;
	s12 =	smul.u32 $0x16800, s0  }
0x7: {  	s20 =	sshll.u32 s0, $0x6;
	s4 =	sor.u32 s0, s1;
	s1 =	rddreg [dreg:$0x2]  }
0x8: {  	_ =	strace $0x80000047;
	s30 =	sshrl.u32 s5, $0x1;
	s7 =	smul.u32 $0x4F0, s4  }
0x9: {  	s4 =	sadd.s32 $0x2600, s6;
	s13 =	sadd.s32 s8, s6;
	s31 =	sshrl.u32 s9, $0x2  }
0xa: {  	s14 =	ssub.s32 s5, s30;
	s5 =	sadd.s32 s12, s2;
	s19 =	sshrl.u32 s12, $0x3  }
0xb: {  	s9 =	sadd.s32 s31, s2;
	s18 =	sadd.s32 $0x42200, s13;
	s12 =	smax.u32 s14, $0x1  }
0xc: {  	s13 =	simm.s32 $0x4F00;
	s14 =	simm.s32 $0x2;
	s11 =	sadd.s32 s7, s6  }
0xd: {  	s6 =	sadd.s32 $0x4800, s9;
	s7 =	sadd.s32 $0x9000, s9;
	s8 =	sadd.s32 $0xD800, s9  }
0xe: {  	s9 =	sadd.s32 $0x12000, s9;
	s18 =	sadd.s32 s19, s18;
	s19 =	sor.u32 $0x1C02, s20  }
0xf: {  	v0 =	vimm.f32 $0.0e+00;
	s20 =	simm.s32 $0x0;
	s10 =	sadd.s32 $0x2E600, s11;
	s11 =	sadd.s32 $0x38400, s11  }
.LBB2_1:
0x10: {  	s21 =	smul.u32 $0xE38F, s3;
	_ =	sdelay $0x1  }
0x11: {  	s22 =	sshrl.u32 s21, $0x13  }
0x12: {  	s23 =	simm.s32 $0x0;
	s21 =	simm.s32 $0x1;
	s24 =	smul.u32 $0x9, s22  }
.LBB2_2:
0x13: {  	s25 =	smul.u32 $0xE38F, s21  }
0x14: {  	s26 =	smov.u32 s21;
	s22 =	smul.u32 $0x240, s22;
	p0 =	sne.s32 s21, $0x47F  }
.Ltmp0:
0x15: {  	s23 =	ssub.s32 s23, s24;
	(pc) =	sbr.rel @p0 .LBB2_2-.Ltmp0, $4  }
0x16: {  	s21 =	sadd.s32 $0x1, s21;
	s23 =	sand.u32 $0xFFFF, s23  }
0x17: {  	s24 =	sshrl.u32 s22, $0x2;
	s28 =	sshll.u32 s23, $0x4;
	s23 =	smov.u32 s26  }
0x18: {  	s22 =	sshrl.u32 s25, $0x13;
	s25 =	sadd.s32 s28, s24  }
0x19: {  	s24 =	smul.u32 $0x9, s22;
	[tilespmem:s25+$0x4F00] =	vst v0  }
0x1a: {  	_ = 	snop  }
0x1b: {  	s22 =	smul.u32 $0x240, s22;
	s21 =	ssub.s32 s23, s24  }
0x1c: {  	s21 =	sand.u32 $0xFFFF, s21  }
0x1d: {  	s22 =	sshrl.u32 s22, $0x2;
	s21 =	sshll.u32 s21, $0x4  }
0x1e: {  	s21 =	sadd.s32 s21, s22  }
0x1f: {  	[tilespmem:s21+$0x4F00] =	vst v0  }
0x20: {  	[spmem:s5] =	stream.linear.scatter [tilespmem:s13], [sflag:$0x2], $0x4800, $0x38;
	[tilespmem:$0x1FF00] =	vst v63  }
0x21: {  	_ =	swait.ge [sflag:s14], $0x4800  }
0x22: {  	[sflag:s14] =	ssyncset.done $0x0  }
0x23: {  	[sflag:s14] =	ssyncadd.s32 $0xFFFFB800  }
0x24: {  	[spmem:s6] =	stream.linear.scatter [tilespmem:s13], [sflag:$0x2], $0x4800, $0x38;
	[tilespmem:$0x1FF00] =	vst v63  }
0x25: {  	_ =	swait.ge [sflag:s14], $0x4800  }
0x26: {  	[sflag:s14] =	ssyncset.done $0x0  }
0x27: {  	[sflag:s14] =	ssyncadd.s32 $0xFFFFB800  }
0x28: {  	[spmem:s7] =	stream.linear.scatter [tilespmem:s13], [sflag:$0x2], $0x4800, $0x38;
	[tilespmem:$0x1FF00] =	vst v63  }
0x29: {  	_ =	swait.ge [sflag:s14], $0x4800  }
0x2a: {  	[sflag:s14] =	ssyncset.done $0x0  }
0x2b: {  	[sflag:s14] =	ssyncadd.s32 $0xFFFFB800  }
0x2c: {  	[spmem:s8] =	stream.linear.scatter [tilespmem:s13], [sflag:$0x2], $0x4800, $0x38;
	[tilespmem:$0x1FF00] =	vst v63  }
0x2d: {  	_ =	swait.ge [sflag:s14], $0x4800  }
0x2e: {  	[sflag:s14] =	ssyncset.done $0x0  }
0x2f: {  	[sflag:s14] =	ssyncadd.s32 $0xFFFFB800  }
0x30: {  	[spmem:s9] =	stream.linear.scatter [tilespmem:s13], [sflag:$0x2], $0x4800, $0x38;
	[tilespmem:$0x1FF00] =	vst v63  }
0x31: {  	_ =	swait.ge [sflag:s14], $0x4800  }
0x32: {  	[sflag:s14] =	ssyncset.done $0x0  }
0x33: {  	s29 =	simm.s32 $0x0;
	[sflag:s14] =	ssyncadd.s32 $0xFFFFB800  }
0x34: {  	[tilespmem:s29], [sflag:$0x2] =	stream.linear.gather [hbm4b:s10+s29], $0x2780, $0x38;
	[tilespmem:$0x1FF00] =	vst v63  }
0x35: {  	_ =	swait.ge [sflag:s14], $0x2780  }
0x36: {  	[sflag:s14] =	ssyncset.done $0x0  }
0x37: {  	[sflag:s14] =	ssyncadd.s32 $0xFFFFD880  }
0x38: {  	[tilespmem:s15], [sflag:$0x2] =	stream.linear.gather [hbm4b:s11+s29], $0x2780, $0x38;
	[tilespmem:$0x1FF00] =	vst v63  }
0x39: {  	_ =	swait.ge [sflag:s14], $0x2780  }
0x3a: {  	[sflag:s14] =	ssyncset.done $0x0  }
0x3b: {  	[sflag:s14] =	ssyncadd.s32 $0xFFFFD880  }
0x3c: {  	s30 =	simm.s32 $0x0;
	[bflag:$0x0] =	sbarrier.arrive $0xFFFF  }
0x3d: {  	[tilespmem:s13], [sflag:$0x1] =	stream.indirect.gather [hbm4b:s4+s16], $0x90, s30, s16, $0xb8;
	[tilespmem:$0x1FF00] =	vst v63  }
0x3e: {  	_ =	swait.ge [sflag:s17], $0x4800  }
0x3f: {  	[sflag:s17] =	ssyncset.done $0x0  }
0x40: {  	s31 =	simm.s32 $0x2780;
	[sflag:s17] =	ssyncadd.s32 $0xFFFFB800  }
0x41: {  	[spmem:s2] =	stream.indirect.scatter.add.f32 [tilespmem:s13], [sflag:$0x2], $0x90, s31, s16, $0xb8;
	[tilespmem:$0x1FF00] =	vst v63  }
0x42: {  	_ =	swait.ge [sflag:s14], $0x4800  }
0x43: {  	s22 =	simm.s32 $0x400;
	s21 =	simm.s32 $0x200;
	[sflag:s14] =	ssyncset.done $0x0  }
.LBB2_4:
0x44: {  	s23 =	sshra.s32 s21, $0x2  }
0x45: {  	[sflag:s14] =	ssyncadd.s32 $0xFFFFB800;
	s21 =	smov.u32 s22;
	s24 =	sadd.s32 $0x200, s22  }
0x46: {  	[tilespmem:s13], [sflag:$0x1] =	stream.indirect.gather [hbm4b:s4+s16], $0x90, s23, s16, $0xb8;
	[tilespmem:$0x1FF00] =	vst v63  }
0x47: {  	p0 =	sne.s32 s22, $0x9C00;
	_ =	swait.ge [sflag:s17], $0x4800  }
.Ltmp1:
0x48: {  	[sflag:s17] =	ssyncset.done $0x0;
	(pc) =	sbr.rel @p0 .LBB2_4-.Ltmp1, $4  }
0x49: {  	s22 =	sadd.s32 $0x2780, s23;
	[sflag:s17] =	ssyncadd.s32 $0xFFFFB800  }
0x4a: {  	[spmem:s2] =	stream.indirect.scatter.add.f32 [tilespmem:s13], [sflag:$0x2], $0x90, s22, s16, $0xb8;
	[tilespmem:$0x1FF00] =	vst v63  }
0x4b: {  	_ =	swait.ge [sflag:s14], $0x4800  }
0x4c: {  	s22 =	smov.u32 s24;
	[sflag:s14] =	ssyncset.done $0x0  }
0x4d: {  	s21 =	sshra.s32 s21, $0x2;
	[sflag:s14] =	ssyncadd.s32 $0xFFFFB800  }
0x4e: {  	[tilespmem:s13], [sflag:$0x1] =	stream.indirect.gather [hbm4b:s4+s16], $0x90, s21, s16, $0xb8;
	[tilespmem:$0x1FF00] =	vst v63  }
0x4f: {  	_ =	swait.ge [sflag:s17], $0x4800  }
0x50: {  	[sflag:s17] =	ssyncset.done $0x0  }
0x51: {  	s21 =	sadd.s32 $0x2780, s21;
	[sflag:s17] =	ssyncadd.s32 $0xFFFFB800  }
0x52: {  	[spmem:s2] =	stream.indirect.scatter.add.f32 [tilespmem:s13], [sflag:$0x2], $0x90, s21, s16, $0xb8;
	[tilespmem:$0x1FF00] =	vst v63  }
0x53: {  	_ =	swait.ge [sflag:s14], $0x4800  }
0x54: {  	s20 =	sadd.s32 $0x1, s20;
	[sflag:s14] =	ssyncset.done $0x0  }
0x55: {  	p0 =	sne.s32 s20, s12;
	[sflag:s14] =	ssyncadd.s32 $0xFFFFB800  }
.Ltmp2:
0x56: {  	s31 =	sshrl.u32 s5, $0x3;
	[bflag:$0x0] =	sbarrier.arrive $0xFFFF;
	(pc) =	sbr.rel @p0 .LBB2_1-.Ltmp2, $4  }
0x57: {  	[hbm:s18], [sflag:s19] =	dma.local [spmem:s31], $0x2D00  }
0x58: {  	_ =	swait.ge [sflag:s14], $0x2D00  }
0x59: {  	[sflag:s14] =	ssyncset.done $0x0  }
0x5a: {  	[sflag:s14] =	ssyncadd.s32 $0xFFFFD300  }
0x5b: {  	_ =	sfence.sel $0x180000  }
0x5c: {  	[bflag:$0x0] =	sbarrier.arrive $0xFFFF  }
0x5d: {  	p0 =	sne.s32 s0, $0x0;
	_ =	strace $0x90000047  }
0x5e: {  	s0 =	sadd.s32 @!p0 $0x100000, s1;
	[bflag:$0x2] =	sbarrier.arrive $0xFFFF  }
0x5f: {  	[sflag:s0] =	ssyncadd.tile.s32 @!p0 $0x1;
	_ =	shalt  }
.Lfunc_end2:
_tile_overlayer_lowered:
.L_overlay_start_2:
0x60: {  	(tag) =	ssettag $0x2  }
0x61: {  	s0 =	rddreg [dreg:$0x0];
	s2 =	stileid.u32  }
0x62: {  	s1 =	rddreg [dreg:$0x1];
	p0 =	sne.s32 s2, $0x0  }
0x63: {  	s3 =	rddreg [dreg:$0x2];
	[bflag:$0x3] =	sbarrier.arrive $0xFFFF;
	s2 =	simm.s32 @!p0 $0x1C02  }
0x64: {  	[timem:s3], [sflag:s2] =	dma.local @!p0 [hbm:s0], s1  }
0x65: {  	s0 =	simm.s32 @!p0 $0x2  }
0x66: {  	_ =	swait.ge @!p0 [sflag:s0], s1  }
0x67: {  	s1 =	ssub.s32 @!p0 $0x0, s1;
	[sflag:s0] =	ssyncset.done @!p0 $0x0  }
0x68: {  	[sflag:s0] =	ssyncadd.s32 @!p0 s1  }
0x69: {  	[bflag:$0x3] =	sbarrier.arrive $0xFFFF  }
0x6a: {  	_ =	shalt  }

</sc_bundles>
